<compile_context>
chip_gen: v7x
topology: tpu7x:2x2x1
jax: 0.10.2.dev20260603
libtpu: 0.0.44.dev20260713+nightly
codegen_flags: <defaults>
</compile_context>

<pallas_src>
import functools

import jax
import jax.numpy as jnp
from jax import lax
from jax.experimental import pallas as pl
from jax.experimental.pallas import tpu as pltpu
from jax.experimental.pallas import tpu_sc as plsc

N_ROWS = 16384
N_COLS = 256
K_OUT = 128
NUM_WORKERS = 32
ROWS_PER_WORKER = N_ROWS // NUM_WORKERS
BLK_ROWS = 128
NBLK = ROWS_PER_WORKER // BLK_ROWS
LANES = 16


def _build_sc_kernel():
    mesh = plsc.VectorSubcoreMesh(core_axis_name="c", subcore_axis_name="s")

    @functools.partial(
        pl.kernel,
        mesh=mesh,
        out_type=jax.ShapeDtypeStruct((N_ROWS, K_OUT), jnp.float32),
        compiler_params=pltpu.CompilerParams(
            needs_layout_passes=False,
            use_tc_tiling_on_sc=True,
        ),
        scratch_types=[
            pltpu.VMEM((2, BLK_ROWS, N_COLS), jnp.float32),
            pltpu.VMEM((2, BLK_ROWS, K_OUT), jnp.float32),
            pltpu.SemaphoreType.DMA((2,)),
            pltpu.SemaphoreType.DMA((2,)),
        ],
    )
    def k(in_hbm, out_hbm, in_v, out_v, in_sem, out_sem):
        wid = lax.axis_index("s") * 2 + lax.axis_index("c")
        lane2 = 2 * lax.iota(jnp.int32, LANES)
        cols = [lane2 + (2 * LANES * t) for t in range(K_OUT // LANES)]

        def row0(b):
            return wid * ROWS_PER_WORKER + b * BLK_ROWS

        def in_copy(b):
            par = lax.rem(b, 2)
            return pltpu.make_async_copy(
                in_hbm.at[pl.ds(row0(b), BLK_ROWS), :],
                in_v.at[par],
                in_sem.at[par],
            )

        def out_copy(b):
            par = lax.rem(b, 2)
            return pltpu.make_async_copy(
                out_v.at[par],
                out_hbm.at[pl.ds(row0(b), BLK_ROWS), :],
                out_sem.at[par],
            )

        def compute(b):
            par = lax.rem(b, 2)
            src = in_v.at[par]
            dst = out_v.at[par]

            @plsc.parallel_loop(0, BLK_ROWS, unroll=2)
            def body(r):
                rows = jnp.full((LANES,), r, jnp.int32)
                for t in range(K_OUT // LANES):
                    v = plsc.load_gather(src, [rows, cols[t]])
                    dst[r, pl.ds(LANES * t, LANES)] = v

        in_copy(0).start()
        for b in range(2):
            in_copy(b + 1).start()
            in_copy(b).wait()
            compute(b)
            out_copy(b).start()

        def block(b, _):
            in_copy(b + 1).start()
            in_copy(b).wait()
            out_copy(b - 2).wait()
            compute(b)
            out_copy(b).start()
            return 0

        lax.fori_loop(2, NBLK - 1, block, 0)

        b_last = NBLK - 1
        in_copy(b_last).wait()
        out_copy(b_last - 2).wait()
        compute(b_last)
        out_copy(b_last).start()
        out_copy(NBLK - 2).wait()
        out_copy(NBLK - 1).wait()

    return k


_SC_KERNEL = _build_sc_kernel()


def kernel(inputs):
    return _SC_KERNEL(inputs)

# --- scband reference (transcript-rebuilt; emitter-appended) ---
"""Pipeline reference for scband-bool-mask-60413009985686 (READ-ONLY COPY).

The authoritative reference and input builder live on the scoring server;
editing this copy changes nothing except your own understanding.
"""

import jax, jax.numpy as jnp
import numpy as np

# Boolean mask of length 256 with alternating True/False (128 True entries),
# matching init_kwargs['mask'].
MASK = np.tile(np.array([True, False]), 128)
MASK_SHAPE = int(MASK.sum())  # 128


def setup_inputs(seed: int = 0) -> dict:
    key = jax.random.key(seed)
    inputs = jax.random.normal(key, (16384, 256), dtype=jnp.float32)
    return {"inputs": inputs}


def reference(inputs):
    # Faithful translation of BoolMask.call:
    # take_along_axis(inputs, where(boolmask), axis=1) then reshape to [B, mask_shape]
    mask = jnp.asarray(MASK)
    idx = jnp.where(mask, size=MASK_SHAPE)[0]  # column indices of True entries
    batchsize = inputs.shape[0]
    gathered = jnp.take(inputs, idx, axis=1)
    return jnp.reshape(gathered, (batchsize, MASK_SHAPE))

if __name__ == "__main__":
    import jax
    _d = setup_inputs()
    print(jax.jit(kernel)(*tuple(_d.values())))

</pallas_src>

<mosaic_0001>
#map = affine_map<(d0, d1) -> (0, 0)>
module attributes {stable_mosaic.version = 14 : i64} {
  func.func @k(%arg0: i32, %arg1: i32, %arg2: memref<16384x256xf32, #tpu.memory_space<hbm>>, %arg3: memref<16384x128xf32, #tpu.memory_space<hbm>>, %arg4: memref<2x128x256xf32, #tpu.memory_space<vmem>>, %arg5: memref<2x128x128xf32, #tpu.memory_space<vmem>>, %arg6: memref<2x!tpu.dma_semaphore, #tpu.memory_space<semaphore_mem>>, %arg7: memref<2x!tpu.dma_semaphore, #tpu.memory_space<semaphore_mem>>) attributes {dimension_semantics = [#tpu.dimension_semantics<core_parallel>, #tpu.dimension_semantics<subcore_parallel>], iteration_bounds = array<i64: 2, 16>, scalar_prefetch = 0 : i64, scratch_operands = 4 : i64, tpu.core_type = #tpu.core_type<sc_vector_subcore>, window_params = [{transform_indices = #map}, {transform_indices = #map}]} {
    %mul3A = arith.constant 2 : i32
    %mul3A_0 = arith.muli %arg1, %mul3A : i32
    %add3A = arith.addi %mul3A_0, %arg0 : i32
    %iota3A = tpu.iota {dimensions = array<i32: 0>} : vector<16xi32>
    %mul3A_1 = arith.constant 2 : i32
    %mul3A_2 = vector.broadcast %mul3A_1 : i32 to vector<16xi32>
    %mul3A_3 = arith.muli %mul3A_2, %iota3A : vector<16xi32>
    %add3A_4 = arith.constant 0 : i32
    %add3A_5 = vector.broadcast %add3A_4 : i32 to vector<16xi32>
    %add3A_6 = arith.addi %mul3A_3, %add3A_5 : vector<16xi32>
    %add3A_7 = arith.constant 32 : i32
    %add3A_8 = vector.broadcast %add3A_7 : i32 to vector<16xi32>
    %add3A_9 = arith.addi %mul3A_3, %add3A_8 : vector<16xi32>
    %add3A_10 = arith.constant 64 : i32
    %add3A_11 = vector.broadcast %add3A_10 : i32 to vector<16xi32>
    %add3A_12 = arith.addi %mul3A_3, %add3A_11 : vector<16xi32>
    %add3A_13 = arith.constant 96 : i32
    %add3A_14 = vector.broadcast %add3A_13 : i32 to vector<16xi32>
    %add3A_15 = arith.addi %mul3A_3, %add3A_14 : vector<16xi32>
    %add3A_16 = arith.constant 128 : i32
    %add3A_17 = vector.broadcast %add3A_16 : i32 to vector<16xi32>
    %add3A_18 = arith.addi %mul3A_3, %add3A_17 : vector<16xi32>
    %add3A_19 = arith.constant 160 : i32
    %add3A_20 = vector.broadcast %add3A_19 : i32 to vector<16xi32>
    %add3A_21 = arith.addi %mul3A_3, %add3A_20 : vector<16xi32>
    %add3A_22 = arith.constant 192 : i32
    %add3A_23 = vector.broadcast %add3A_22 : i32 to vector<16xi32>
    %add3A_24 = arith.addi %mul3A_3, %add3A_23 : vector<16xi32>
    %add3A_25 = arith.constant 224 : i32
    %add3A_26 = vector.broadcast %add3A_25 : i32 to vector<16xi32>
    %add3A_27 = arith.addi %mul3A_3, %add3A_26 : vector<16xi32>
    %rem3A = arith.constant 0 : i32
    %rem3A_28 = arith.constant 2 : i32
    %rem3A_29 = arith.remsi %rem3A, %rem3A_28 : i32
    %mul3A_30 = arith.constant 512 : i32
    %mul3A_31 = arith.muli %add3A, %mul3A_30 : i32
    %add3A_32 = arith.constant 0 : i32
    %add3A_33 = arith.addi %mul3A_31, %add3A_32 : i32
    %dma_start3A = arith.constant 0 : i32
    %dma_start3A_34 = arith.constant 0 : i32
    %dma_start3A_35 = tpu.memref_slice %arg4[%rem3A_29, %dma_start3A, %dma_start3A_34] : memref<2x128x256xf32, #tpu.memory_space<vmem>> -> memref<1x128x256xf32, #tpu.memory_space<vmem>>
    %dma_start3A_36 = tpu.memref_squeeze %dma_start3A_35 : memref<1x128x256xf32, #tpu.memory_space<vmem>> -> memref<128x256xf32, #tpu.memory_space<vmem>>
    %dma_start3A_37 = arith.constant 0 : i32
    %dma_start3A_38 = tpu.memref_slice %arg2[%add3A_33, %dma_start3A_37] : memref<16384x256xf32, #tpu.memory_space<hbm>> -> memref<128x256xf32, #tpu.memory_space<hbm>>
    %dma_start3A_39 = tpu.memref_slice %arg6[%rem3A_29] : memref<2x!tpu.dma_semaphore, #tpu.memory_space<semaphore_mem>> -> memref<1x!tpu.dma_semaphore, #tpu.memory_space<semaphore_mem>>
    %dma_start3A_40 = tpu.memref_squeeze %dma_start3A_39 : memref<1x!tpu.dma_semaphore, #tpu.memory_space<semaphore_mem>> -> memref<!tpu.dma_semaphore, #tpu.memory_space<semaphore_mem>>
    %dma_start3A_41 = arith.constant 0 : i32
    %dma_start3A_42 = arith.constant 0 : i32
    %dma_start3A_43 = tpu.memref_slice %arg4[%rem3A_29, %dma_start3A_41, %dma_start3A_42] : memref<2x128x256xf32, #tpu.memory_space<vmem>> -> memref<1x128x256xf32, #tpu.memory_space<vmem>>
    %dma_start3A_44 = tpu.memref_squeeze %dma_start3A_43 : memref<1x128x256xf32, #tpu.memory_space<vmem>> -> memref<128x256xf32, #tpu.memory_space<vmem>>
    %dma_start3A_45 = arith.constant 0 : i32
    %dma_start3A_46 = tpu.memref_slice %arg2[%add3A_33, %dma_start3A_45] : memref<16384x256xf32, #tpu.memory_space<hbm>> -> memref<128x256xf32, #tpu.memory_space<hbm>>
    tpu.enqueue_dma source(%dma_start3A_46 : memref<128x256xf32, #tpu.memory_space<hbm>>) target(%dma_start3A_44 : memref<128x256xf32, #tpu.memory_space<vmem>>) target_semaphore(%dma_start3A_40 : memref<!tpu.dma_semaphore, #tpu.memory_space<semaphore_mem>>)
    %rem3A_47 = arith.constant 1 : i32
    %rem3A_48 = arith.constant 2 : i32
    %rem3A_49 = arith.remsi %rem3A_47, %rem3A_48 : i32
    %mul3A_50 = arith.constant 512 : i32
    %mul3A_51 = arith.muli %add3A, %mul3A_50 : i32
    %add3A_52 = arith.constant 128 : i32
    %add3A_53 = arith.addi %mul3A_51, %add3A_52 : i32
    %dma_start3A_54 = arith.constant 0 : i32
    %dma_start3A_55 = arith.constant 0 : i32
    %dma_start3A_56 = tpu.memref_slice %arg4[%rem3A_49, %dma_start3A_54, %dma_start3A_55] : memref<2x128x256xf32, #tpu.memory_space<vmem>> -> memref<1x128x256xf32, #tpu.memory_space<vmem>>
    %dma_start3A_57 = tpu.memref_squeeze %dma_start3A_56 : memref<1x128x256xf32, #tpu.memory_space<vmem>> -> memref<128x256xf32, #tpu.memory_space<vmem>>
    %dma_start3A_58 = arith.constant 0 : i32
    %dma_start3A_59 = tpu.memref_slice %arg2[%add3A_53, %dma_start3A_58] : memref<16384x256xf32, #tpu.memory_space<hbm>> -> memref<128x256xf32, #tpu.memory_space<hbm>>
    %dma_start3A_60 = tpu.memref_slice %arg6[%rem3A_49] : memref<2x!tpu.dma_semaphore, #tpu.memory_space<semaphore_mem>> -> memref<1x!tpu.dma_semaphore, #tpu.memory_space<semaphore_mem>>
    %dma_start3A_61 = tpu.memref_squeeze %dma_start3A_60 : memref<1x!tpu.dma_semaphore, #tpu.memory_space<semaphore_mem>> -> memref<!tpu.dma_semaphore, #tpu.memory_space<semaphore_mem>>
    %dma_start3A_62 = arith.constant 0 : i32
    %dma_start3A_63 = arith.constant 0 : i32
    %dma_start3A_64 = tpu.memref_slice %arg4[%rem3A_49, %dma_start3A_62, %dma_start3A_63] : memref<2x128x256xf32, #tpu.memory_space<vmem>> -> memref<1x128x256xf32, #tpu.memory_space<vmem>>
    %dma_start3A_65 = tpu.memref_squeeze %dma_start3A_64 : memref<1x128x256xf32, #tpu.memory_space<vmem>> -> memref<128x256xf32, #tpu.memory_space<vmem>>
    %dma_start3A_66 = arith.constant 0 : i32
    %dma_start3A_67 = tpu.memref_slice %arg2[%add3A_53, %dma_start3A_66] : memref<16384x256xf32, #tpu.memory_space<hbm>> -> memref<128x256xf32, #tpu.memory_space<hbm>>
    tpu.enqueue_dma source(%dma_start3A_67 : memref<128x256xf32, #tpu.memory_space<hbm>>) target(%dma_start3A_65 : memref<128x256xf32, #tpu.memory_space<vmem>>) target_semaphore(%dma_start3A_61 : memref<!tpu.dma_semaphore, #tpu.memory_space<semaphore_mem>>)
    %rem3A_68 = arith.constant 0 : i32
    %rem3A_69 = arith.constant 2 : i32
    %rem3A_70 = arith.remsi %rem3A_68, %rem3A_69 : i32
    %mul3A_71 = arith.constant 512 : i32
    %mul3A_72 = arith.muli %add3A, %mul3A_71 : i32
    %add3A_73 = arith.constant 0 : i32
    %add3A_74 = arith.addi %mul3A_72, %add3A_73 : i32
    %dma_wait3A = arith.constant 0 : i32
    %dma_wait3A_75 = arith.constant 0 : i32
    %dma_wait3A_76 = tpu.memref_slice %arg4[%rem3A_70, %dma_wait3A, %dma_wait3A_75] : memref<2x128x256xf32, #tpu.memory_space<vmem>> -> memref<1x128x256xf32, #tpu.memory_space<vmem>>
    %dma_wait3A_77 = tpu.memref_squeeze %dma_wait3A_76 : memref<1x128x256xf32, #tpu.memory_space<vmem>> -> memref<128x256xf32, #tpu.memory_space<vmem>>
    %dma_wait3A_78 = arith.constant 0 : i32
    %dma_wait3A_79 = tpu.memref_slice %arg2[%add3A_74, %dma_wait3A_78] : memref<16384x256xf32, #tpu.memory_space<hbm>> -> memref<128x256xf32, #tpu.memory_space<hbm>>
    %dma_wait3A_80 = tpu.memref_slice %arg6[%rem3A_70] : memref<2x!tpu.dma_semaphore, #tpu.memory_space<semaphore_mem>> -> memref<1x!tpu.dma_semaphore, #tpu.memory_space<semaphore_mem>>
    %dma_wait3A_81 = tpu.memref_squeeze %dma_wait3A_80 : memref<1x!tpu.dma_semaphore, #tpu.memory_space<semaphore_mem>> -> memref<!tpu.dma_semaphore, #tpu.memory_space<semaphore_mem>>
    %dma_wait3A_82 = arith.constant 0 : i32
    %dma_wait3A_83 = arith.constant 0 : i32
    %dma_wait3A_84 = tpu.memref_slice %arg4[%rem3A_70, %dma_wait3A_82, %dma_wait3A_83] : memref<2x128x256xf32, #tpu.memory_space<vmem>> -> memref<1x128x256xf32, #tpu.memory_space<vmem>>
    %dma_wait3A_85 = tpu.memref_squeeze %dma_wait3A_84 : memref<1x128x256xf32, #tpu.memory_space<vmem>> -> memref<128x256xf32, #tpu.memory_space<vmem>>
    %dma_wait3A_86 = arith.constant 0 : i32
    %dma_wait3A_87 = tpu.memref_slice %arg2[%add3A_74, %dma_wait3A_86] : memref<16384x256xf32, #tpu.memory_space<hbm>> -> memref<128x256xf32, #tpu.memory_space<hbm>>
    tpu.wait_dma2 semaphore(%dma_wait3A_81 : memref<!tpu.dma_semaphore, #tpu.memory_space<semaphore_mem>>) src(%dma_wait3A_87 : memref<128x256xf32, #tpu.memory_space<hbm>>) dst(%dma_wait3A_85 : memref<128x256xf32, #tpu.memory_space<vmem>>)
    %rem3A_88 = arith.constant 0 : i32
    %rem3A_89 = arith.constant 2 : i32
    %rem3A_90 = arith.remsi %rem3A_88, %rem3A_89 : i32
    %parallel_loop3A = arith.constant 0 : i32
    %parallel_loop3A_91 = arith.constant 128 : i32
    %parallel_loop3A_92 = arith.constant 1 : i32
    scf.for %parallel_loop3A_389 = %parallel_loop3A to %parallel_loop3A_91 step %parallel_loop3A_92  : i32 {
      %parallel_loop3A_390 = vector.broadcast %parallel_loop3A_389 : i32 to vector<16xi32>
      %parallel_loop3A_391 = arith.constant 0 : i32
      %parallel_loop3A_392 = arith.constant 0 : i32
      %parallel_loop3A_393 = tpu.memref_slice %arg4[%rem3A_90, %parallel_loop3A_391, %parallel_loop3A_392] : memref<2x128x256xf32, #tpu.memory_space<vmem>> -> memref<1x128x256xf32, #tpu.memory_space<vmem>>
      %parallel_loop3A_394 = tpu.memref_squeeze %parallel_loop3A_393 : memref<1x128x256xf32, #tpu.memory_space<vmem>> -> memref<128x256xf32, #tpu.memory_space<vmem>>
      %parallel_loop3A_395 = tpu.vector_load_idx %parallel_loop3A_394[%parallel_loop3A_390, %add3A_6] : memref<128x256xf32, #tpu.memory_space<vmem>>[vector<16xi32>, vector<16xi32>], vector<16xf32>,
      %parallel_loop3A_396 = arith.constant 0 : i32
      %parallel_loop3A_397 = arith.constant 0 : i32
      %parallel_loop3A_398 = tpu.memref_slice %arg5[%rem3A_90, %parallel_loop3A_396, %parallel_loop3A_397] : memref<2x128x128xf32, #tpu.memory_space<vmem>> -> memref<1x128x128xf32, #tpu.memory_space<vmem>>
      %parallel_loop3A_399 = tpu.memref_squeeze %parallel_loop3A_398 : memref<1x128x128xf32, #tpu.memory_space<vmem>> -> memref<128x128xf32, #tpu.memory_space<vmem>>
      %parallel_loop3A_400 = arith.index_cast %parallel_loop3A_389 : i32 to index
      %parallel_loop3A_401 = arith.constant 0 : index
      %parallel_loop3A_402 = tpu.vector_load %parallel_loop3A_399[%parallel_loop3A_400, %parallel_loop3A_401] {strides = array<i32>} : memref<128x128xf32, #tpu.memory_space<vmem>>, vector<16xf32>,
      tpu.vector_store %parallel_loop3A_399[%parallel_loop3A_400, %parallel_loop3A_401], %parallel_loop3A_395 {strides = array<i32>} : memref<128x128xf32, #tpu.memory_space<vmem>>, vector<16xf32>,
      %parallel_loop3A_403 = arith.constant 0 : i32
      %parallel_loop3A_404 = arith.constant 0 : i32
      %parallel_loop3A_405 = tpu.memref_slice %arg4[%rem3A_90, %parallel_loop3A_403, %parallel_loop3A_404] : memref<2x128x256xf32, #tpu.memory_space<vmem>> -> memref<1x128x256xf32, #tpu.memory_space<vmem>>
      %parallel_loop3A_406 = tpu.memref_squeeze %parallel_loop3A_405 : memref<1x128x256xf32, #tpu.memory_space<vmem>> -> memref<128x256xf32, #tpu.memory_space<vmem>>
      %parallel_loop3A_407 = tpu.vector_load_idx %parallel_loop3A_406[%parallel_loop3A_390, %add3A_9] : memref<128x256xf32, #tpu.memory_space<vmem>>[vector<16xi32>, vector<16xi32>], vector<16xf32>,
      %parallel_loop3A_408 = arith.constant 0 : i32
      %parallel_loop3A_409 = arith.constant 0 : i32
      %parallel_loop3A_410 = tpu.memref_slice %arg5[%rem3A_90, %parallel_loop3A_408, %parallel_loop3A_409] : memref<2x128x128xf32, #tpu.memory_space<vmem>> -> memref<1x128x128xf32, #tpu.memory_space<vmem>>
      %parallel_loop3A_411 = tpu.memref_squeeze %parallel_loop3A_410 : memref<1x128x128xf32, #tpu.memory_space<vmem>> -> memref<128x128xf32, #tpu.memory_space<vmem>>
      %parallel_loop3A_412 = arith.index_cast %parallel_loop3A_389 : i32 to index
      %parallel_loop3A_413 = arith.constant 16 : index
      %parallel_loop3A_414 = tpu.vector_load %parallel_loop3A_411[%parallel_loop3A_412, %parallel_loop3A_413] {strides = array<i32>} : memref<128x128xf32, #tpu.memory_space<vmem>>, vector<16xf32>,
      tpu.vector_store %parallel_loop3A_411[%parallel_loop3A_412, %parallel_loop3A_413], %parallel_loop3A_407 {strides = array<i32>} : memref<128x128xf32, #tpu.memory_space<vmem>>, vector<16xf32>,
      %parallel_loop3A_415 = arith.constant 0 : i32
      %parallel_loop3A_416 = arith.constant 0 : i32
      %parallel_loop3A_417 = tpu.memref_slice %arg4[%rem3A_90, %parallel_loop3A_415, %parallel_loop3A_416] : memref<2x128x256xf32, #tpu.memory_space<vmem>> -> memref<1x128x256xf32, #tpu.memory_space<vmem>>
      %parallel_loop3A_418 = tpu.memref_squeeze %parallel_loop3A_417 : memref<1x128x256xf32, #tpu.memory_space<vmem>> -> memref<128x256xf32, #tpu.memory_space<vmem>>
      %parallel_loop3A_419 = tpu.vector_load_idx %parallel_loop3A_418[%parallel_loop3A_390, %add3A_12] : memref<128x256xf32, #tpu.memory_space<vmem>>[vector<16xi32>, vector<16xi32>], vector<16xf32>,
      %parallel_loop3A_420 = arith.constant 0 : i32
      %parallel_loop3A_421 = arith.constant 0 : i32
      %parallel_loop3A_422 = tpu.memref_slice %arg5[%rem3A_90, %parallel_loop3A_420, %parallel_loop3A_421] : memref<2x128x128xf32, #tpu.memory_space<vmem>> -> memref<1x128x128xf32, #tpu.memory_space<vmem>>
      %parallel_loop3A_423 = tpu.memref_squeeze %parallel_loop3A_422 : memref<1x128x128xf32, #tpu.memory_space<vmem>> -> memref<128x128xf32, #tpu.memory_space<vmem>>
      %parallel_loop3A_424 = arith.index_cast %parallel_loop3A_389 : i32 to index
      %parallel_loop3A_425 = arith.constant 32 : index
      %parallel_loop3A_426 = tpu.vector_load %parallel_loop3A_423[%parallel_loop3A_424, %parallel_loop3A_425] {strides = array<i32>} : memref<128x128xf32, #tpu.memory_space<vmem>>, vector<16xf32>,
      tpu.vector_store %parallel_loop3A_423[%parallel_loop3A_424, %parallel_loop3A_425], %parallel_loop3A_419 {strides = array<i32>} : memref<128x128xf32, #tpu.memory_space<vmem>>, vector<16xf32>,
      %parallel_loop3A_427 = arith.constant 0 : i32
      %parallel_loop3A_428 = arith.constant 0 : i32
      %parallel_loop3A_429 = tpu.memref_slice %arg4[%rem3A_90, %parallel_loop3A_427, %parallel_loop3A_428] : memref<2x128x256xf32, #tpu.memory_space<vmem>> -> memref<1x128x256xf32, #tpu.memory_space<vmem>>
      %parallel_loop3A_430 = tpu.memref_squeeze %parallel_loop3A_429 : memref<1x128x256xf32, #tpu.memory_space<vmem>> -> memref<128x256xf32, #tpu.memory_space<vmem>>
      %parallel_loop3A_431 = tpu.vector_load_idx %parallel_loop3A_430[%parallel_loop3A_390, %add3A_15] : memref<128x256xf32, #tpu.memory_space<vmem>>[vector<16xi32>, vector<16xi32>], vector<16xf32>,
      %parallel_loop3A_432 = arith.constant 0 : i32
      %parallel_loop3A_433 = arith.constant 0 : i32
      %parallel_loop3A_434 = tpu.memref_slice %arg5[%rem3A_90, %parallel_loop3A_432, %parallel_loop3A_433] : memref<2x128x128xf32, #tpu.memory_space<vmem>> -> memref<1x128x128xf32, #tpu.memory_space<vmem>>
      %parallel_loop3A_435 = tpu.memref_squeeze %parallel_loop3A_434 : memref<1x128x128xf32, #tpu.memory_space<vmem>> -> memref<128x128xf32, #tpu.memory_space<vmem>>
      %parallel_loop3A_436 = arith.index_cast %parallel_loop3A_389 : i32 to index
      %parallel_loop3A_437 = arith.constant 48 : index
      %parallel_loop3A_438 = tpu.vector_load %parallel_loop3A_435[%parallel_loop3A_436, %parallel_loop3A_437] {strides = array<i32>} : memref<128x128xf32, #tpu.memory_space<vmem>>, vector<16xf32>,
      tpu.vector_store %parallel_loop3A_435[%parallel_loop3A_436, %parallel_loop3A_437], %parallel_loop3A_431 {strides = array<i32>} : memref<128x128xf32, #tpu.memory_space<vmem>>, vector<16xf32>,
      %parallel_loop3A_439 = arith.constant 0 : i32
      %parallel_loop3A_440 = arith.constant 0 : i32
      %parallel_loop3A_441 = tpu.memref_slice %arg4[%rem3A_90, %parallel_loop3A_439, %parallel_loop3A_440] : memref<2x128x256xf32, #tpu.memory_space<vmem>> -> memref<1x128x256xf32, #tpu.memory_space<vmem>>
      %parallel_loop3A_442 = tpu.memref_squeeze %parallel_loop3A_441 : memref<1x128x256xf32, #tpu.memory_space<vmem>> -> memref<128x256xf32, #tpu.memory_space<vmem>>
      %parallel_loop3A_443 = tpu.vector_load_idx %parallel_loop3A_442[%parallel_loop3A_390, %add3A_18] : memref<128x256xf32, #tpu.memory_space<vmem>>[vector<16xi32>, vector<16xi32>], vector<16xf32>,
      %parallel_loop3A_444 = arith.constant 0 : i32
      %parallel_loop3A_445 = arith.constant 0 : i32
      %parallel_loop3A_446 = tpu.memref_slice %arg5[%rem3A_90, %parallel_loop3A_444, %parallel_loop3A_445] : memref<2x128x128xf32, #tpu.memory_space<vmem>> -> memref<1x128x128xf32, #tpu.memory_space<vmem>>
      %parallel_loop3A_447 = tpu.memref_squeeze %parallel_loop3A_446 : memref<1x128x128xf32, #tpu.memory_space<vmem>> -> memref<128x128xf32, #tpu.memory_space<vmem>>
      %parallel_loop3A_448 = arith.index_cast %parallel_loop3A_389 : i32 to index
      %parallel_loop3A_449 = arith.constant 64 : index
      %parallel_loop3A_450 = tpu.vector_load %parallel_loop3A_447[%parallel_loop3A_448, %parallel_loop3A_449] {strides = array<i32>} : memref<128x128xf32, #tpu.memory_space<vmem>>, vector<16xf32>,
      tpu.vector_store %parallel_loop3A_447[%parallel_loop3A_448, %parallel_loop3A_449], %parallel_loop3A_443 {strides = array<i32>} : memref<128x128xf32, #tpu.memory_space<vmem>>, vector<16xf32>,
      %parallel_loop3A_451 = arith.constant 0 : i32
      %parallel_loop3A_452 = arith.constant 0 : i32
      %parallel_loop3A_453 = tpu.memref_slice %arg4[%rem3A_90, %parallel_loop3A_451, %parallel_loop3A_452] : memref<2x128x256xf32, #tpu.memory_space<vmem>> -> memref<1x128x256xf32, #tpu.memory_space<vmem>>
      %parallel_loop3A_454 = tpu.memref_squeeze %parallel_loop3A_453 : memref<1x128x256xf32, #tpu.memory_space<vmem>> -> memref<128x256xf32, #tpu.memory_space<vmem>>
      %parallel_loop3A_455 = tpu.vector_load_idx %parallel_loop3A_454[%parallel_loop3A_390, %add3A_21] : memref<128x256xf32, #tpu.memory_space<vmem>>[vector<16xi32>, vector<16xi32>], vector<16xf32>,
      %parallel_loop3A_456 = arith.constant 0 : i32
      %parallel_loop3A_457 = arith.constant 0 : i32
      %parallel_loop3A_458 = tpu.memref_slice %arg5[%rem3A_90, %parallel_loop3A_456, %parallel_loop3A_457] : memref<2x128x128xf32, #tpu.memory_space<vmem>> -> memref<1x128x128xf32, #tpu.memory_space<vmem>>
      %parallel_loop3A_459 = tpu.memref_squeeze %parallel_loop3A_458 : memref<1x128x128xf32, #tpu.memory_space<vmem>> -> memref<128x128xf32, #tpu.memory_space<vmem>>
      %parallel_loop3A_460 = arith.index_cast %parallel_loop3A_389 : i32 to index
      %parallel_loop3A_461 = arith.constant 80 : index
      %parallel_loop3A_462 = tpu.vector_load %parallel_loop3A_459[%parallel_loop3A_460, %parallel_loop3A_461] {strides = array<i32>} : memref<128x128xf32, #tpu.memory_space<vmem>>, vector<16xf32>,
      tpu.vector_store %parallel_loop3A_459[%parallel_loop3A_460, %parallel_loop3A_461], %parallel_loop3A_455 {strides = array<i32>} : memref<128x128xf32, #tpu.memory_space<vmem>>, vector<16xf32>,
      %parallel_loop3A_463 = arith.constant 0 : i32
      %parallel_loop3A_464 = arith.constant 0 : i32
      %parallel_loop3A_465 = tpu.memref_slice %arg4[%rem3A_90, %parallel_loop3A_463, %parallel_loop3A_464] : memref<2x128x256xf32, #tpu.memory_space<vmem>> -> memref<1x128x256xf32, #tpu.memory_space<vmem>>
      %parallel_loop3A_466 = tpu.memref_squeeze %parallel_loop3A_465 : memref<1x128x256xf32, #tpu.memory_space<vmem>> -> memref<128x256xf32, #tpu.memory_space<vmem>>
      %parallel_loop3A_467 = tpu.vector_load_idx %parallel_loop3A_466[%parallel_loop3A_390, %add3A_24] : memref<128x256xf32, #tpu.memory_space<vmem>>[vector<16xi32>, vector<16xi32>], vector<16xf32>,
      %parallel_loop3A_468 = arith.constant 0 : i32
      %parallel_loop3A_469 = arith.constant 0 : i32
      %parallel_loop3A_470 = tpu.memref_slice %arg5[%rem3A_90, %parallel_loop3A_468, %parallel_loop3A_469] : memref<2x128x128xf32, #tpu.memory_space<vmem>> -> memref<1x128x128xf32, #tpu.memory_space<vmem>>
      %parallel_loop3A_471 = tpu.memref_squeeze %parallel_loop3A_470 : memref<1x128x128xf32, #tpu.memory_space<vmem>> -> memref<128x128xf32, #tpu.memory_space<vmem>>
      %parallel_loop3A_472 = arith.index_cast %parallel_loop3A_389 : i32 to index
      %parallel_loop3A_473 = arith.constant 96 : index
      %parallel_loop3A_474 = tpu.vector_load %parallel_loop3A_471[%parallel_loop3A_472, %parallel_loop3A_473] {strides = array<i32>} : memref<128x128xf32, #tpu.memory_space<vmem>>, vector<16xf32>,
      tpu.vector_store %parallel_loop3A_471[%parallel_loop3A_472, %parallel_loop3A_473], %parallel_loop3A_467 {strides = array<i32>} : memref<128x128xf32, #tpu.memory_space<vmem>>, vector<16xf32>,
      %parallel_loop3A_475 = arith.constant 0 : i32
      %parallel_loop3A_476 = arith.constant 0 : i32
      %parallel_loop3A_477 = tpu.memref_slice %arg4[%rem3A_90, %parallel_loop3A_475, %parallel_loop3A_476] : memref<2x128x256xf32, #tpu.memory_space<vmem>> -> memref<1x128x256xf32, #tpu.memory_space<vmem>>
      %parallel_loop3A_478 = tpu.memref_squeeze %parallel_loop3A_477 : memref<1x128x256xf32, #tpu.memory_space<vmem>> -> memref<128x256xf32, #tpu.memory_space<vmem>>
      %parallel_loop3A_479 = tpu.vector_load_idx %parallel_loop3A_478[%parallel_loop3A_390, %add3A_27] : memref<128x256xf32, #tpu.memory_space<vmem>>[vector<16xi32>, vector<16xi32>], vector<16xf32>,
      %parallel_loop3A_480 = arith.constant 0 : i32
      %parallel_loop3A_481 = arith.constant 0 : i32
      %parallel_loop3A_482 = tpu.memref_slice %arg5[%rem3A_90, %parallel_loop3A_480, %parallel_loop3A_481] : memref<2x128x128xf32, #tpu.memory_space<vmem>> -> memref<1x128x128xf32, #tpu.memory_space<vmem>>
      %parallel_loop3A_483 = tpu.memref_squeeze %parallel_loop3A_482 : memref<1x128x128xf32, #tpu.memory_space<vmem>> -> memref<128x128xf32, #tpu.memory_space<vmem>>
      %parallel_loop3A_484 = arith.index_cast %parallel_loop3A_389 : i32 to index
      %parallel_loop3A_485 = arith.constant 112 : index
      %parallel_loop3A_486 = tpu.vector_load %parallel_loop3A_483[%parallel_loop3A_484, %parallel_loop3A_485] {strides = array<i32>} : memref<128x128xf32, #tpu.memory_space<vmem>>, vector<16xf32>,
      tpu.vector_store %parallel_loop3A_483[%parallel_loop3A_484, %parallel_loop3A_485], %parallel_loop3A_479 {strides = array<i32>} : memref<128x128xf32, #tpu.memory_space<vmem>>, vector<16xf32>,
    } {sc.loop_unroll_factor = 2 : i64, sc.parallel_access}
    %rem3A_93 = arith.constant 0 : i32
    %rem3A_94 = arith.constant 2 : i32
    %rem3A_95 = arith.remsi %rem3A_93, %rem3A_94 : i32
    %mul3A_96 = arith.constant 512 : i32
    %mul3A_97 = arith.muli %add3A, %mul3A_96 : i32
    %add3A_98 = arith.constant 0 : i32
    %add3A_99 = arith.addi %mul3A_97, %add3A_98 : i32
    %dma_start3A_100 = arith.constant 0 : i32
    %dma_start3A_101 = arith.constant 0 : i32
    %dma_start3A_102 = tpu.memref_slice %arg5[%rem3A_95, %dma_start3A_100, %dma_start3A_101] : memref<2x128x128xf32, #tpu.memory_space<vmem>> -> memref<1x128x128xf32, #tpu.memory_space<vmem>>
    %dma_start3A_103 = tpu.memref_squeeze %dma_start3A_102 : memref<1x128x128xf32, #tpu.memory_space<vmem>> -> memref<128x128xf32, #tpu.memory_space<vmem>>
    %dma_start3A_104 = arith.constant 0 : i32
    %dma_start3A_105 = tpu.memref_slice %arg3[%add3A_99, %dma_start3A_104] : memref<16384x128xf32, #tpu.memory_space<hbm>> -> memref<128x128xf32, #tpu.memory_space<hbm>>
    %dma_start3A_106 = tpu.memref_slice %arg7[%rem3A_95] : memref<2x!tpu.dma_semaphore, #tpu.memory_space<semaphore_mem>> -> memref<1x!tpu.dma_semaphore, #tpu.memory_space<semaphore_mem>>
    %dma_start3A_107 = tpu.memref_squeeze %dma_start3A_106 : memref<1x!tpu.dma_semaphore, #tpu.memory_space<semaphore_mem>> -> memref<!tpu.dma_semaphore, #tpu.memory_space<semaphore_mem>>
    %dma_start3A_108 = arith.constant 0 : i32
    %dma_start3A_109 = tpu.memref_slice %arg3[%add3A_99, %dma_start3A_108] : memref<16384x128xf32, #tpu.memory_space<hbm>> -> memref<128x128xf32, #tpu.memory_space<hbm>>
    %dma_start3A_110 = arith.constant 0 : i32
    %dma_start3A_111 = arith.constant 0 : i32
    %dma_start3A_112 = tpu.memref_slice %arg5[%rem3A_95, %dma_start3A_110, %dma_start3A_111] : memref<2x128x128xf32, #tpu.memory_space<vmem>> -> memref<1x128x128xf32, #tpu.memory_space<vmem>>
    %dma_start3A_113 = tpu.memref_squeeze %dma_start3A_112 : memref<1x128x128xf32, #tpu.memory_space<vmem>> -> memref<128x128xf32, #tpu.memory_space<vmem>>
    tpu.enqueue_dma source(%dma_start3A_113 : memref<128x128xf32, #tpu.memory_space<vmem>>) target(%dma_start3A_109 : memref<128x128xf32, #tpu.memory_space<hbm>>) target_semaphore(%dma_start3A_107 : memref<!tpu.dma_semaphore, #tpu.memory_space<semaphore_mem>>)
    %rem3A_114 = arith.constant 2 : i32
    %rem3A_115 = arith.constant 2 : i32
    %rem3A_116 = arith.remsi %rem3A_114, %rem3A_115 : i32
    %mul3A_117 = arith.constant 512 : i32
    %mul3A_118 = arith.muli %add3A, %mul3A_117 : i32
    %add3A_119 = arith.constant 256 : i32
    %add3A_120 = arith.addi %mul3A_118, %add3A_119 : i32
    %dma_start3A_121 = arith.constant 0 : i32
    %dma_start3A_122 = arith.constant 0 : i32
    %dma_start3A_123 = tpu.memref_slice %arg4[%rem3A_116, %dma_start3A_121, %dma_start3A_122] : memref<2x128x256xf32, #tpu.memory_space<vmem>> -> memref<1x128x256xf32, #tpu.memory_space<vmem>>
    %dma_start3A_124 = tpu.memref_squeeze %dma_start3A_123 : memref<1x128x256xf32, #tpu.memory_space<vmem>> -> memref<128x256xf32, #tpu.memory_space<vmem>>
    %dma_start3A_125 = arith.constant 0 : i32
    %dma_start3A_126 = tpu.memref_slice %arg2[%add3A_120, %dma_start3A_125] : memref<16384x256xf32, #tpu.memory_space<hbm>> -> memref<128x256xf32, #tpu.memory_space<hbm>>
    %dma_start3A_127 = tpu.memref_slice %arg6[%rem3A_116] : memref<2x!tpu.dma_semaphore, #tpu.memory_space<semaphore_mem>> -> memref<1x!tpu.dma_semaphore, #tpu.memory_space<semaphore_mem>>
    %dma_start3A_128 = tpu.memref_squeeze %dma_start3A_127 : memref<1x!tpu.dma_semaphore, #tpu.memory_space<semaphore_mem>> -> memref<!tpu.dma_semaphore, #tpu.memory_space<semaphore_mem>>
    %dma_start3A_129 = arith.constant 0 : i32
    %dma_start3A_130 = arith.constant 0 : i32
    %dma_start3A_131 = tpu.memref_slice %arg4[%rem3A_116, %dma_start3A_129, %dma_start3A_130] : memref<2x128x256xf32, #tpu.memory_space<vmem>> -> memref<1x128x256xf32, #tpu.memory_space<vmem>>
    %dma_start3A_132 = tpu.memref_squeeze %dma_start3A_131 : memref<1x128x256xf32, #tpu.memory_space<vmem>> -> memref<128x256xf32, #tpu.memory_space<vmem>>
    %dma_start3A_133 = arith.constant 0 : i32
    %dma_start3A_134 = tpu.memref_slice %arg2[%add3A_120, %dma_start3A_133] : memref<16384x256xf32, #tpu.memory_space<hbm>> -> memref<128x256xf32, #tpu.memory_space<hbm>>
    tpu.enqueue_dma source(%dma_start3A_134 : memref<128x256xf32, #tpu.memory_space<hbm>>) target(%dma_start3A_132 : memref<128x256xf32, #tpu.memory_space<vmem>>) target_semaphore(%dma_start3A_128 : memref<!tpu.dma_semaphore, #tpu.memory_space<semaphore_mem>>)
    %rem3A_135 = arith.constant 1 : i32
    %rem3A_136 = arith.constant 2 : i32
    %rem3A_137 = arith.remsi %rem3A_135, %rem3A_136 : i32
    %mul3A_138 = arith.constant 512 : i32
    %mul3A_139 = arith.muli %add3A, %mul3A_138 : i32
    %add3A_140 = arith.constant 128 : i32
    %add3A_141 = arith.addi %mul3A_139, %add3A_140 : i32
    %dma_wait3A_142 = arith.constant 0 : i32
    %dma_wait3A_143 = arith.constant 0 : i32
    %dma_wait3A_144 = tpu.memref_slice %arg4[%rem3A_137, %dma_wait3A_142, %dma_wait3A_143] : memref<2x128x256xf32, #tpu.memory_space<vmem>> -> memref<1x128x256xf32, #tpu.memory_space<vmem>>
    %dma_wait3A_145 = tpu.memref_squeeze %dma_wait3A_144 : memref<1x128x256xf32, #tpu.memory_space<vmem>> -> memref<128x256xf32, #tpu.memory_space<vmem>>
    %dma_wait3A_146 = arith.constant 0 : i32
    %dma_wait3A_147 = tpu.memref_slice %arg2[%add3A_141, %dma_wait3A_146] : memref<16384x256xf32, #tpu.memory_space<hbm>> -> memref<128x256xf32, #tpu.memory_space<hbm>>
    %dma_wait3A_148 = tpu.memref_slice %arg6[%rem3A_137] : memref<2x!tpu.dma_semaphore, #tpu.memory_space<semaphore_mem>> -> memref<1x!tpu.dma_semaphore, #tpu.memory_space<semaphore_mem>>
    %dma_wait3A_149 = tpu.memref_squeeze %dma_wait3A_148 : memref<1x!tpu.dma_semaphore, #tpu.memory_space<semaphore_mem>> -> memref<!tpu.dma_semaphore, #tpu.memory_space<semaphore_mem>>
    %dma_wait3A_150 = arith.constant 0 : i32
    %dma_wait3A_151 = arith.constant 0 : i32
    %dma_wait3A_152 = tpu.memref_slice %arg4[%rem3A_137, %dma_wait3A_150, %dma_wait3A_151] : memref<2x128x256xf32, #tpu.memory_space<vmem>> -> memref<1x128x256xf32, #tpu.memory_space<vmem>>
    %dma_wait3A_153 = tpu.memref_squeeze %dma_wait3A_152 : memref<1x128x256xf32, #tpu.memory_space<vmem>> -> memref<128x256xf32, #tpu.memory_space<vmem>>
    %dma_wait3A_154 = arith.constant 0 : i32
    %dma_wait3A_155 = tpu.memref_slice %arg2[%add3A_141, %dma_wait3A_154] : memref<16384x256xf32, #tpu.memory_space<hbm>> -> memref<128x256xf32, #tpu.memory_space<hbm>>
    tpu.wait_dma2 semaphore(%dma_wait3A_149 : memref<!tpu.dma_semaphore, #tpu.memory_space<semaphore_mem>>) src(%dma_wait3A_155 : memref<128x256xf32, #tpu.memory_space<hbm>>) dst(%dma_wait3A_153 : memref<128x256xf32, #tpu.memory_space<vmem>>)
    %rem3A_156 = arith.constant 1 : i32
    %rem3A_157 = arith.constant 2 : i32
    %rem3A_158 = arith.remsi %rem3A_156, %rem3A_157 : i32
    %parallel_loop3A_159 = arith.constant 0 : i32
    %parallel_loop3A_160 = arith.constant 128 : i32
    %parallel_loop3A_161 = arith.constant 1 : i32
    scf.for %parallel_loop3A_389 = %parallel_loop3A_159 to %parallel_loop3A_160 step %parallel_loop3A_161  : i32 {
      %parallel_loop3A_390 = vector.broadcast %parallel_loop3A_389 : i32 to vector<16xi32>
      %parallel_loop3A_391 = arith.constant 0 : i32
      %parallel_loop3A_392 = arith.constant 0 : i32
      %parallel_loop3A_393 = tpu.memref_slice %arg4[%rem3A_158, %parallel_loop3A_391, %parallel_loop3A_392] : memref<2x128x256xf32, #tpu.memory_space<vmem>> -> memref<1x128x256xf32, #tpu.memory_space<vmem>>
      %parallel_loop3A_394 = tpu.memref_squeeze %parallel_loop3A_393 : memref<1x128x256xf32, #tpu.memory_space<vmem>> -> memref<128x256xf32, #tpu.memory_space<vmem>>
      %parallel_loop3A_395 = tpu.vector_load_idx %parallel_loop3A_394[%parallel_loop3A_390, %add3A_6] : memref<128x256xf32, #tpu.memory_space<vmem>>[vector<16xi32>, vector<16xi32>], vector<16xf32>,
      %parallel_loop3A_396 = arith.constant 0 : i32
      %parallel_loop3A_397 = arith.constant 0 : i32
      %parallel_loop3A_398 = tpu.memref_slice %arg5[%rem3A_158, %parallel_loop3A_396, %parallel_loop3A_397] : memref<2x128x128xf32, #tpu.memory_space<vmem>> -> memref<1x128x128xf32, #tpu.memory_space<vmem>>
      %parallel_loop3A_399 = tpu.memref_squeeze %parallel_loop3A_398 : memref<1x128x128xf32, #tpu.memory_space<vmem>> -> memref<128x128xf32, #tpu.memory_space<vmem>>
      %parallel_loop3A_400 = arith.index_cast %parallel_loop3A_389 : i32 to index
      %parallel_loop3A_401 = arith.constant 0 : index
      %parallel_loop3A_402 = tpu.vector_load %parallel_loop3A_399[%parallel_loop3A_400, %parallel_loop3A_401] {strides = array<i32>} : memref<128x128xf32, #tpu.memory_space<vmem>>, vector<16xf32>,
      tpu.vector_store %parallel_loop3A_399[%parallel_loop3A_400, %parallel_loop3A_401], %parallel_loop3A_395 {strides = array<i32>} : memref<128x128xf32, #tpu.memory_space<vmem>>, vector<16xf32>,
      %parallel_loop3A_403 = arith.constant 0 : i32
      %parallel_loop3A_404 = arith.constant 0 : i32
      %parallel_loop3A_405 = tpu.memref_slice %arg4[%rem3A_158, %parallel_loop3A_403, %parallel_loop3A_404] : memref<2x128x256xf32, #tpu.memory_space<vmem>> -> memref<1x128x256xf32, #tpu.memory_space<vmem>>
      %parallel_loop3A_406 = tpu.memref_squeeze %parallel_loop3A_405 : memref<1x128x256xf32, #tpu.memory_space<vmem>> -> memref<128x256xf32, #tpu.memory_space<vmem>>
      %parallel_loop3A_407 = tpu.vector_load_idx %parallel_loop3A_406[%parallel_loop3A_390, %add3A_9] : memref<128x256xf32, #tpu.memory_space<vmem>>[vector<16xi32>, vector<16xi32>], vector<16xf32>,
      %parallel_loop3A_408 = arith.constant 0 : i32
      %parallel_loop3A_409 = arith.constant 0 : i32
      %parallel_loop3A_410 = tpu.memref_slice %arg5[%rem3A_158, %parallel_loop3A_408, %parallel_loop3A_409] : memref<2x128x128xf32, #tpu.memory_space<vmem>> -> memref<1x128x128xf32, #tpu.memory_space<vmem>>
      %parallel_loop3A_411 = tpu.memref_squeeze %parallel_loop3A_410 : memref<1x128x128xf32, #tpu.memory_space<vmem>> -> memref<128x128xf32, #tpu.memory_space<vmem>>
      %parallel_loop3A_412 = arith.index_cast %parallel_loop3A_389 : i32 to index
      %parallel_loop3A_413 = arith.constant 16 : index
      %parallel_loop3A_414 = tpu.vector_load %parallel_loop3A_411[%parallel_loop3A_412, %parallel_loop3A_413] {strides = array<i32>} : memref<128x128xf32, #tpu.memory_space<vmem>>, vector<16xf32>,
      tpu.vector_store %parallel_loop3A_411[%parallel_loop3A_412, %parallel_loop3A_413], %parallel_loop3A_407 {strides = array<i32>} : memref<128x128xf32, #tpu.memory_space<vmem>>, vector<16xf32>,
      %parallel_loop3A_415 = arith.constant 0 : i32
      %parallel_loop3A_416 = arith.constant 0 : i32
      %parallel_loop3A_417 = tpu.memref_slice %arg4[%rem3A_158, %parallel_loop3A_415, %parallel_loop3A_416] : memref<2x128x256xf32, #tpu.memory_space<vmem>> -> memref<1x128x256xf32, #tpu.memory_space<vmem>>
      %parallel_loop3A_418 = tpu.memref_squeeze %parallel_loop3A_417 : memref<1x128x256xf32, #tpu.memory_space<vmem>> -> memref<128x256xf32, #tpu.memory_space<vmem>>
      %parallel_loop3A_419 = tpu.vector_load_idx %parallel_loop3A_418[%parallel_loop3A_390, %add3A_12] : memref<128x256xf32, #tpu.memory_space<vmem>>[vector<16xi32>, vector<16xi32>], vector<16xf32>,
      %parallel_loop3A_420 = arith.constant 0 : i32
      %parallel_loop3A_421 = arith.constant 0 : i32
      %parallel_loop3A_422 = tpu.memref_slice %arg5[%rem3A_158, %parallel_loop3A_420, %parallel_loop3A_421] : memref<2x128x128xf32, #tpu.memory_space<vmem>> -> memref<1x128x128xf32, #tpu.memory_space<vmem>>
      %parallel_loop3A_423 = tpu.memref_squeeze %parallel_loop3A_422 : memref<1x128x128xf32, #tpu.memory_space<vmem>> -> memref<128x128xf32, #tpu.memory_space<vmem>>
      %parallel_loop3A_424 = arith.index_cast %parallel_loop3A_389 : i32 to index
      %parallel_loop3A_425 = arith.constant 32 : index
      %parallel_loop3A_426 = tpu.vector_load %parallel_loop3A_423[%parallel_loop3A_424, %parallel_loop3A_425] {strides = array<i32>} : memref<128x128xf32, #tpu.memory_space<vmem>>, vector<16xf32>,
      tpu.vector_store %parallel_loop3A_423[%parallel_loop3A_424, %parallel_loop3A_425], %parallel_loop3A_419 {strides = array<i32>} : memref<128x128xf32, #tpu.memory_space<vmem>>, vector<16xf32>,
      %parallel_loop3A_427 = arith.constant 0 : i32
      %parallel_loop3A_428 = arith.constant 0 : i32
      %parallel_loop3A_429 = tpu.memref_slice %arg4[%rem3A_158, %parallel_loop3A_427, %parallel_loop3A_428] : memref<2x128x256xf32, #tpu.memory_space<vmem>> -> memref<1x128x256xf32, #tpu.memory_space<vmem>>
      %parallel_loop3A_430 = tpu.memref_squeeze %parallel_loop3A_429 : memref<1x128x256xf32, #tpu.memory_space<vmem>> -> memref<128x256xf32, #tpu.memory_space<vmem>>
      %parallel_loop3A_431 = tpu.vector_load_idx %parallel_loop3A_430[%parallel_loop3A_390, %add3A_15] : memref<128x256xf32, #tpu.memory_space<vmem>>[vector<16xi32>, vector<16xi32>], vector<16xf32>,
      %parallel_loop3A_432 = arith.constant 0 : i32
      %parallel_loop3A_433 = arith.constant 0 : i32
      %parallel_loop3A_434 = tpu.memref_slice %arg5[%rem3A_158, %parallel_loop3A_432, %parallel_loop3A_433] : memref<2x128x128xf32, #tpu.memory_space<vmem>> -> memref<1x128x128xf32, #tpu.memory_space<vmem>>
      %parallel_loop3A_435 = tpu.memref_squeeze %parallel_loop3A_434 : memref<1x128x128xf32, #tpu.memory_space<vmem>> -> memref<128x128xf32, #tpu.memory_space<vmem>>
      %parallel_loop3A_436 = arith.index_cast %parallel_loop3A_389 : i32 to index
      %parallel_loop3A_437 = arith.constant 48 : index
      %parallel_loop3A_438 = tpu.vector_load %parallel_loop3A_435[%parallel_loop3A_436, %parallel_loop3A_437] {strides = array<i32>} : memref<128x128xf32, #tpu.memory_space<vmem>>, vector<16xf32>,
      tpu.vector_store %parallel_loop3A_435[%parallel_loop3A_436, %parallel_loop3A_437], %parallel_loop3A_431 {strides = array<i32>} : memref<128x128xf32, #tpu.memory_space<vmem>>, vector<16xf32>,
      %parallel_loop3A_439 = arith.constant 0 : i32
      %parallel_loop3A_440 = arith.constant 0 : i32
      %parallel_loop3A_441 = tpu.memref_slice %arg4[%rem3A_158, %parallel_loop3A_439, %parallel_loop3A_440] : memref<2x128x256xf32, #tpu.memory_space<vmem>> -> memref<1x128x256xf32, #tpu.memory_space<vmem>>
      %parallel_loop3A_442 = tpu.memref_squeeze %parallel_loop3A_441 : memref<1x128x256xf32, #tpu.memory_space<vmem>> -> memref<128x256xf32, #tpu.memory_space<vmem>>
      %parallel_loop3A_443 = tpu.vector_load_idx %parallel_loop3A_442[%parallel_loop3A_390, %add3A_18] : memref<128x256xf32, #tpu.memory_space<vmem>>[vector<16xi32>, vector<16xi32>], vector<16xf32>,
      %parallel_loop3A_444 = arith.constant 0 : i32
      %parallel_loop3A_445 = arith.constant 0 : i32
      %parallel_loop3A_446 = tpu.memref_slice %arg5[%rem3A_158, %parallel_loop3A_444, %parallel_loop3A_445] : memref<2x128x128xf32, #tpu.memory_space<vmem>> -> memref<1x128x128xf32, #tpu.memory_space<vmem>>
      %parallel_loop3A_447 = tpu.memref_squeeze %parallel_loop3A_446 : memref<1x128x128xf32, #tpu.memory_space<vmem>> -> memref<128x128xf32, #tpu.memory_space<vmem>>
      %parallel_loop3A_448 = arith.index_cast %parallel_loop3A_389 : i32 to index
      %parallel_loop3A_449 = arith.constant 64 : index
      %parallel_loop3A_450 = tpu.vector_load %parallel_loop3A_447[%parallel_loop3A_448, %parallel_loop3A_449] {strides = array<i32>} : memref<128x128xf32, #tpu.memory_space<vmem>>, vector<16xf32>,
      tpu.vector_store %parallel_loop3A_447[%parallel_loop3A_448, %parallel_loop3A_449], %parallel_loop3A_443 {strides = array<i32>} : memref<128x128xf32, #tpu.memory_space<vmem>>, vector<16xf32>,
      %parallel_loop3A_451 = arith.constant 0 : i32
      %parallel_loop3A_452 = arith.constant 0 : i32
      %parallel_loop3A_453 = tpu.memref_slice %arg4[%rem3A_158, %parallel_loop3A_451, %parallel_loop3A_452] : memref<2x128x256xf32, #tpu.memory_space<vmem>> -> memref<1x128x256xf32, #tpu.memory_space<vmem>>
      %parallel_loop3A_454 = tpu.memref_squeeze %parallel_loop3A_453 : memref<1x128x256xf32, #tpu.memory_space<vmem>> -> memref<128x256xf32, #tpu.memory_space<vmem>>
      %parallel_loop3A_455 = tpu.vector_load_idx %parallel_loop3A_454[%parallel_loop3A_390, %add3A_21] : memref<128x256xf32, #tpu.memory_space<vmem>>[vector<16xi32>, vector<16xi32>], vector<16xf32>,
      %parallel_loop3A_456 = arith.constant 0 : i32
      %parallel_loop3A_457 = arith.constant 0 : i32
      %parallel_loop3A_458 = tpu.memref_slice %arg5[%rem3A_158, %parallel_loop3A_456, %parallel_loop3A_457] : memref<2x128x128xf32, #tpu.memory_space<vmem>> -> memref<1x128x128xf32, #tpu.memory_space<vmem>>
      %parallel_loop3A_459 = tpu.memref_squeeze %parallel_loop3A_458 : memref<1x128x128xf32, #tpu.memory_space<vmem>> -> memref<128x128xf32, #tpu.memory_space<vmem>>
      %parallel_loop3A_460 = arith.index_cast %parallel_loop3A_389 : i32 to index
      %parallel_loop3A_461 = arith.constant 80 : index
      %parallel_loop3A_462 = tpu.vector_load %parallel_loop3A_459[%parallel_loop3A_460, %parallel_loop3A_461] {strides = array<i32>} : memref<128x128xf32, #tpu.memory_space<vmem>>, vector<16xf32>,
      tpu.vector_store %parallel_loop3A_459[%parallel_loop3A_460, %parallel_loop3A_461], %parallel_loop3A_455 {strides = array<i32>} : memref<128x128xf32, #tpu.memory_space<vmem>>, vector<16xf32>,
      %parallel_loop3A_463 = arith.constant 0 : i32
      %parallel_loop3A_464 = arith.constant 0 : i32
      %parallel_loop3A_465 = tpu.memref_slice %arg4[%rem3A_158, %parallel_loop3A_463, %parallel_loop3A_464] : memref<2x128x256xf32, #tpu.memory_space<vmem>> -> memref<1x128x256xf32, #tpu.memory_space<vmem>>
      %parallel_loop3A_466 = tpu.memref_squeeze %parallel_loop3A_465 : memref<1x128x256xf32, #tpu.memory_space<vmem>> -> memref<128x256xf32, #tpu.memory_space<vmem>>
      %parallel_loop3A_467 = tpu.vector_load_idx %parallel_loop3A_466[%parallel_loop3A_390, %add3A_24] : memref<128x256xf32, #tpu.memory_space<vmem>>[vector<16xi32>, vector<16xi32>], vector<16xf32>,
      %parallel_loop3A_468 = arith.constant 0 : i32
      %parallel_loop3A_469 = arith.constant 0 : i32
      %parallel_loop3A_470 = tpu.memref_slice %arg5[%rem3A_158, %parallel_loop3A_468, %parallel_loop3A_469] : memref<2x128x128xf32, #tpu.memory_space<vmem>> -> memref<1x128x128xf32, #tpu.memory_space<vmem>>
      %parallel_loop3A_471 = tpu.memref_squeeze %parallel_loop3A_470 : memref<1x128x128xf32, #tpu.memory_space<vmem>> -> memref<128x128xf32, #tpu.memory_space<vmem>>
      %parallel_loop3A_472 = arith.index_cast %parallel_loop3A_389 : i32 to index
      %parallel_loop3A_473 = arith.constant 96 : index
      %parallel_loop3A_474 = tpu.vector_load %parallel_loop3A_471[%parallel_loop3A_472, %parallel_loop3A_473] {strides = array<i32>} : memref<128x128xf32, #tpu.memory_space<vmem>>, vector<16xf32>,
      tpu.vector_store %parallel_loop3A_471[%parallel_loop3A_472, %parallel_loop3A_473], %parallel_loop3A_467 {strides = array<i32>} : memref<128x128xf32, #tpu.memory_space<vmem>>, vector<16xf32>,
      %parallel_loop3A_475 = arith.constant 0 : i32
      %parallel_loop3A_476 = arith.constant 0 : i32
      %parallel_loop3A_477 = tpu.memref_slice %arg4[%rem3A_158, %parallel_loop3A_475, %parallel_loop3A_476] : memref<2x128x256xf32, #tpu.memory_space<vmem>> -> memref<1x128x256xf32, #tpu.memory_space<vmem>>
      %parallel_loop3A_478 = tpu.memref_squeeze %parallel_loop3A_477 : memref<1x128x256xf32, #tpu.memory_space<vmem>> -> memref<128x256xf32, #tpu.memory_space<vmem>>
      %parallel_loop3A_479 = tpu.vector_load_idx %parallel_loop3A_478[%parallel_loop3A_390, %add3A_27] : memref<128x256xf32, #tpu.memory_space<vmem>>[vector<16xi32>, vector<16xi32>], vector<16xf32>,
      %parallel_loop3A_480 = arith.constant 0 : i32
      %parallel_loop3A_481 = arith.constant 0 : i32
      %parallel_loop3A_482 = tpu.memref_slice %arg5[%rem3A_158, %parallel_loop3A_480, %parallel_loop3A_481] : memref<2x128x128xf32, #tpu.memory_space<vmem>> -> memref<1x128x128xf32, #tpu.memory_space<vmem>>
      %parallel_loop3A_483 = tpu.memref_squeeze %parallel_loop3A_482 : memref<1x128x128xf32, #tpu.memory_space<vmem>> -> memref<128x128xf32, #tpu.memory_space<vmem>>
      %parallel_loop3A_484 = arith.index_cast %parallel_loop3A_389 : i32 to index
      %parallel_loop3A_485 = arith.constant 112 : index
      %parallel_loop3A_486 = tpu.vector_load %parallel_loop3A_483[%parallel_loop3A_484, %parallel_loop3A_485] {strides = array<i32>} : memref<128x128xf32, #tpu.memory_space<vmem>>, vector<16xf32>,
      tpu.vector_store %parallel_loop3A_483[%parallel_loop3A_484, %parallel_loop3A_485], %parallel_loop3A_479 {strides = array<i32>} : memref<128x128xf32, #tpu.memory_space<vmem>>, vector<16xf32>,
    } {sc.loop_unroll_factor = 2 : i64, sc.parallel_access}
    %rem3A_162 = arith.constant 1 : i32
    %rem3A_163 = arith.constant 2 : i32
    %rem3A_164 = arith.remsi %rem3A_162, %rem3A_163 : i32
    %mul3A_165 = arith.constant 512 : i32
    %mul3A_166 = arith.muli %add3A, %mul3A_165 : i32
    %add3A_167 = arith.constant 128 : i32
    %add3A_168 = arith.addi %mul3A_166, %add3A_167 : i32
    %dma_start3A_169 = arith.constant 0 : i32
    %dma_start3A_170 = arith.constant 0 : i32
    %dma_start3A_171 = tpu.memref_slice %arg5[%rem3A_164, %dma_start3A_169, %dma_start3A_170] : memref<2x128x128xf32, #tpu.memory_space<vmem>> -> memref<1x128x128xf32, #tpu.memory_space<vmem>>
    %dma_start3A_172 = tpu.memref_squeeze %dma_start3A_171 : memref<1x128x128xf32, #tpu.memory_space<vmem>> -> memref<128x128xf32, #tpu.memory_space<vmem>>
    %dma_start3A_173 = arith.constant 0 : i32
    %dma_start3A_174 = tpu.memref_slice %arg3[%add3A_168, %dma_start3A_173] : memref<16384x128xf32, #tpu.memory_space<hbm>> -> memref<128x128xf32, #tpu.memory_space<hbm>>
    %dma_start3A_175 = tpu.memref_slice %arg7[%rem3A_164] : memref<2x!tpu.dma_semaphore, #tpu.memory_space<semaphore_mem>> -> memref<1x!tpu.dma_semaphore, #tpu.memory_space<semaphore_mem>>
    %dma_start3A_176 = tpu.memref_squeeze %dma_start3A_175 : memref<1x!tpu.dma_semaphore, #tpu.memory_space<semaphore_mem>> -> memref<!tpu.dma_semaphore, #tpu.memory_space<semaphore_mem>>
    %dma_start3A_177 = arith.constant 0 : i32
    %dma_start3A_178 = tpu.memref_slice %arg3[%add3A_168, %dma_start3A_177] : memref<16384x128xf32, #tpu.memory_space<hbm>> -> memref<128x128xf32, #tpu.memory_space<hbm>>
    %dma_start3A_179 = arith.constant 0 : i32
    %dma_start3A_180 = arith.constant 0 : i32
    %dma_start3A_181 = tpu.memref_slice %arg5[%rem3A_164, %dma_start3A_179, %dma_start3A_180] : memref<2x128x128xf32, #tpu.memory_space<vmem>> -> memref<1x128x128xf32, #tpu.memory_space<vmem>>
    %dma_start3A_182 = tpu.memref_squeeze %dma_start3A_181 : memref<1x128x128xf32, #tpu.memory_space<vmem>> -> memref<128x128xf32, #tpu.memory_space<vmem>>
    tpu.enqueue_dma source(%dma_start3A_182 : memref<128x128xf32, #tpu.memory_space<vmem>>) target(%dma_start3A_178 : memref<128x128xf32, #tpu.memory_space<hbm>>) target_semaphore(%dma_start3A_176 : memref<!tpu.dma_semaphore, #tpu.memory_space<semaphore_mem>>)
    %scan3A = arith.constant 0 : i32
    %scan3A_183 = arith.constant 2 : i32
    %add3A_184 = arith.constant 1 : i32
    %add3A_185 = arith.addi %scan3A_183, %add3A_184 : i32
    %rem3A_186 = arith.constant 2 : i32
    %rem3A_187 = arith.remsi %add3A_185, %rem3A_186 : i32
    %mul3A_188 = arith.constant 512 : i32
    %mul3A_189 = arith.muli %add3A, %mul3A_188 : i32
    %mul3A_190 = arith.constant 128 : i32
    %mul3A_191 = arith.muli %add3A_185, %mul3A_190 : i32
    %add3A_192 = arith.addi %mul3A_189, %mul3A_191 : i32
    %dma_start3A_193 = arith.constant 0 : i32
    %dma_start3A_194 = arith.constant 0 : i32
    %dma_start3A_195 = tpu.memref_slice %arg4[%rem3A_187, %dma_start3A_193, %dma_start3A_194] : memref<2x128x256xf32, #tpu.memory_space<vmem>> -> memref<1x128x256xf32, #tpu.memory_space<vmem>>
    %dma_start3A_196 = tpu.memref_squeeze %dma_start3A_195 : memref<1x128x256xf32, #tpu.memory_space<vmem>> -> memref<128x256xf32, #tpu.memory_space<vmem>>
    %dma_start3A_197 = arith.constant 0 : i32
    %dma_start3A_198 = tpu.memref_slice %arg2[%add3A_192, %dma_start3A_197] : memref<16384x256xf32, #tpu.memory_space<hbm>> -> memref<128x256xf32, #tpu.memory_space<hbm>>
    %dma_start3A_199 = tpu.memref_slice %arg6[%rem3A_187] : memref<2x!tpu.dma_semaphore, #tpu.memory_space<semaphore_mem>> -> memref<1x!tpu.dma_semaphore, #tpu.memory_space<semaphore_mem>>
    %dma_start3A_200 = tpu.memref_squeeze %dma_start3A_199 : memref<1x!tpu.dma_semaphore, #tpu.memory_space<semaphore_mem>> -> memref<!tpu.dma_semaphore, #tpu.memory_space<semaphore_mem>>
    %dma_start3A_201 = arith.constant 0 : i32
    %dma_start3A_202 = arith.constant 0 : i32
    %dma_start3A_203 = tpu.memref_slice %arg4[%rem3A_187, %dma_start3A_201, %dma_start3A_202] : memref<2x128x256xf32, #tpu.memory_space<vmem>> -> memref<1x128x256xf32, #tpu.memory_space<vmem>>
    %dma_start3A_204 = tpu.memref_squeeze %dma_start3A_203 : memref<1x128x256xf32, #tpu.memory_space<vmem>> -> memref<128x256xf32, #tpu.memory_space<vmem>>
    %dma_start3A_205 = arith.constant 0 : i32
    %dma_start3A_206 = tpu.memref_slice %arg2[%add3A_192, %dma_start3A_205] : memref<16384x256xf32, #tpu.memory_space<hbm>> -> memref<128x256xf32, #tpu.memory_space<hbm>>
    tpu.enqueue_dma source(%dma_start3A_206 : memref<128x256xf32, #tpu.memory_space<hbm>>) target(%dma_start3A_204 : memref<128x256xf32, #tpu.memory_space<vmem>>) target_semaphore(%dma_start3A_200 : memref<!tpu.dma_semaphore, #tpu.memory_space<semaphore_mem>>)
    %rem3A_207 = arith.constant 2 : i32
    %rem3A_208 = arith.remsi %scan3A_183, %rem3A_207 : i32
    %mul3A_209 = arith.constant 512 : i32
    %mul3A_210 = arith.muli %add3A, %mul3A_209 : i32
    %mul3A_211 = arith.constant 128 : i32
    %mul3A_212 = arith.muli %scan3A_183, %mul3A_211 : i32
    %add3A_213 = arith.addi %mul3A_210, %mul3A_212 : i32
    %dma_wait3A_214 = arith.constant 0 : i32
    %dma_wait3A_215 = arith.constant 0 : i32
    %dma_wait3A_216 = tpu.memref_slice %arg4[%rem3A_208, %dma_wait3A_214, %dma_wait3A_215] : memref<2x128x256xf32, #tpu.memory_space<vmem>> -> memref<1x128x256xf32, #tpu.memory_space<vmem>>
    %dma_wait3A_217 = tpu.memref_squeeze %dma_wait3A_216 : memref<1x128x256xf32, #tpu.memory_space<vmem>> -> memref<128x256xf32, #tpu.memory_space<vmem>>
    %dma_wait3A_218 = arith.constant 0 : i32
    %dma_wait3A_219 = tpu.memref_slice %arg2[%add3A_213, %dma_wait3A_218] : memref<16384x256xf32, #tpu.memory_space<hbm>> -> memref<128x256xf32, #tpu.memory_space<hbm>>
    %dma_wait3A_220 = tpu.memref_slice %arg6[%rem3A_208] : memref<2x!tpu.dma_semaphore, #tpu.memory_space<semaphore_mem>> -> memref<1x!tpu.dma_semaphore, #tpu.memory_space<semaphore_mem>>
    %dma_wait3A_221 = tpu.memref_squeeze %dma_wait3A_220 : memref<1x!tpu.dma_semaphore, #tpu.memory_space<semaphore_mem>> -> memref<!tpu.dma_semaphore, #tpu.memory_space<semaphore_mem>>
    %dma_wait3A_222 = arith.constant 0 : i32
    %dma_wait3A_223 = arith.constant 0 : i32
    %dma_wait3A_224 = tpu.memref_slice %arg4[%rem3A_208, %dma_wait3A_222, %dma_wait3A_223] : memref<2x128x256xf32, #tpu.memory_space<vmem>> -> memref<1x128x256xf32, #tpu.memory_space<vmem>>
    %dma_wait3A_225 = tpu.memref_squeeze %dma_wait3A_224 : memref<1x128x256xf32, #tpu.memory_space<vmem>> -> memref<128x256xf32, #tpu.memory_space<vmem>>
    %dma_wait3A_226 = arith.constant 0 : i32
    %dma_wait3A_227 = tpu.memref_slice %arg2[%add3A_213, %dma_wait3A_226] : memref<16384x256xf32, #tpu.memory_space<hbm>> -> memref<128x256xf32, #tpu.memory_space<hbm>>
    tpu.wait_dma2 semaphore(%dma_wait3A_221 : memref<!tpu.dma_semaphore, #tpu.memory_space<semaphore_mem>>) src(%dma_wait3A_227 : memref<128x256xf32, #tpu.memory_space<hbm>>) dst(%dma_wait3A_225 : memref<128x256xf32, #tpu.memory_space<vmem>>)
    %sub3A = arith.constant 2 : i32
    %sub3A_228 = arith.subi %scan3A_183, %sub3A : i32
    %rem3A_229 = arith.constant 2 : i32
    %rem3A_230 = arith.remsi %sub3A_228, %rem3A_229 : i32
    %mul3A_231 = arith.constant 512 : i32
    %mul3A_232 = arith.muli %add3A, %mul3A_231 : i32
    %mul3A_233 = arith.constant 128 : i32
    %mul3A_234 = arith.muli %sub3A_228, %mul3A_233 : i32
    %add3A_235 = arith.addi %mul3A_232, %mul3A_234 : i32
    %dma_wait3A_236 = arith.constant 0 : i32
    %dma_wait3A_237 = arith.constant 0 : i32
    %dma_wait3A_238 = tpu.memref_slice %arg5[%rem3A_230, %dma_wait3A_236, %dma_wait3A_237] : memref<2x128x128xf32, #tpu.memory_space<vmem>> -> memref<1x128x128xf32, #tpu.memory_space<vmem>>
    %dma_wait3A_239 = tpu.memref_squeeze %dma_wait3A_238 : memref<1x128x128xf32, #tpu.memory_space<vmem>> -> memref<128x128xf32, #tpu.memory_space<vmem>>
    %dma_wait3A_240 = arith.constant 0 : i32
    %dma_wait3A_241 = tpu.memref_slice %arg3[%add3A_235, %dma_wait3A_240] : memref<16384x128xf32, #tpu.memory_space<hbm>> -> memref<128x128xf32, #tpu.memory_space<hbm>>
    %dma_wait3A_242 = tpu.memref_slice %arg7[%rem3A_230] : memref<2x!tpu.dma_semaphore, #tpu.memory_space<semaphore_mem>> -> memref<1x!tpu.dma_semaphore, #tpu.memory_space<semaphore_mem>>
    %dma_wait3A_243 = tpu.memref_squeeze %dma_wait3A_242 : memref<1x!tpu.dma_semaphore, #tpu.memory_space<semaphore_mem>> -> memref<!tpu.dma_semaphore, #tpu.memory_space<semaphore_mem>>
    %dma_wait3A_244 = arith.constant 0 : i32
    %dma_wait3A_245 = tpu.memref_slice %arg3[%add3A_235, %dma_wait3A_244] : memref<16384x128xf32, #tpu.memory_space<hbm>> -> memref<128x128xf32, #tpu.memory_space<hbm>>
    %dma_wait3A_246 = arith.constant 0 : i32
    %dma_wait3A_247 = arith.constant 0 : i32
    %dma_wait3A_248 = tpu.memref_slice %arg5[%rem3A_230, %dma_wait3A_246, %dma_wait3A_247] : memref<2x128x128xf32, #tpu.memory_space<vmem>> -> memref<1x128x128xf32, #tpu.memory_space<vmem>>
    %dma_wait3A_249 = tpu.memref_squeeze %dma_wait3A_248 : memref<1x128x128xf32, #tpu.memory_space<vmem>> -> memref<128x128xf32, #tpu.memory_space<vmem>>
    tpu.wait_dma2 semaphore(%dma_wait3A_243 : memref<!tpu.dma_semaphore, #tpu.memory_space<semaphore_mem>>) src(%dma_wait3A_249 : memref<128x128xf32, #tpu.memory_space<vmem>>) dst(%dma_wait3A_245 : memref<128x128xf32, #tpu.memory_space<hbm>>)
    %rem3A_250 = arith.constant 2 : i32
    %rem3A_251 = arith.remsi %scan3A_183, %rem3A_250 : i32
    %parallel_loop3A_252 = arith.constant 0 : i32
    %parallel_loop3A_253 = arith.constant 128 : i32
    %parallel_loop3A_254 = arith.constant 1 : i32
    scf.for %parallel_loop3A_389 = %parallel_loop3A_252 to %parallel_loop3A_253 step %parallel_loop3A_254  : i32 {
      %parallel_loop3A_390 = vector.broadcast %parallel_loop3A_389 : i32 to vector<16xi32>
      %parallel_loop3A_391 = arith.constant 0 : i32
      %parallel_loop3A_392 = arith.constant 0 : i32
      %parallel_loop3A_393 = tpu.memref_slice %arg4[%rem3A_251, %parallel_loop3A_391, %parallel_loop3A_392] : memref<2x128x256xf32, #tpu.memory_space<vmem>> -> memref<1x128x256xf32, #tpu.memory_space<vmem>>
      %parallel_loop3A_394 = tpu.memref_squeeze %parallel_loop3A_393 : memref<1x128x256xf32, #tpu.memory_space<vmem>> -> memref<128x256xf32, #tpu.memory_space<vmem>>
      %parallel_loop3A_395 = tpu.vector_load_idx %parallel_loop3A_394[%parallel_loop3A_390, %add3A_6] : memref<128x256xf32, #tpu.memory_space<vmem>>[vector<16xi32>, vector<16xi32>], vector<16xf32>,
      %parallel_loop3A_396 = arith.constant 0 : i32
      %parallel_loop3A_397 = arith.constant 0 : i32
      %parallel_loop3A_398 = tpu.memref_slice %arg5[%rem3A_251, %parallel_loop3A_396, %parallel_loop3A_397] : memref<2x128x128xf32, #tpu.memory_space<vmem>> -> memref<1x128x128xf32, #tpu.memory_space<vmem>>
      %parallel_loop3A_399 = tpu.memref_squeeze %parallel_loop3A_398 : memref<1x128x128xf32, #tpu.memory_space<vmem>> -> memref<128x128xf32, #tpu.memory_space<vmem>>
      %parallel_loop3A_400 = arith.index_cast %parallel_loop3A_389 : i32 to index
      %parallel_loop3A_401 = arith.constant 0 : index
      %parallel_loop3A_402 = tpu.vector_load %parallel_loop3A_399[%parallel_loop3A_400, %parallel_loop3A_401] {strides = array<i32>} : memref<128x128xf32, #tpu.memory_space<vmem>>, vector<16xf32>,
      tpu.vector_store %parallel_loop3A_399[%parallel_loop3A_400, %parallel_loop3A_401], %parallel_loop3A_395 {strides = array<i32>} : memref<128x128xf32, #tpu.memory_space<vmem>>, vector<16xf32>,
      %parallel_loop3A_403 = arith.constant 0 : i32
      %parallel_loop3A_404 = arith.constant 0 : i32
      %parallel_loop3A_405 = tpu.memref_slice %arg4[%rem3A_251, %parallel_loop3A_403, %parallel_loop3A_404] : memref<2x128x256xf32, #tpu.memory_space<vmem>> -> memref<1x128x256xf32, #tpu.memory_space<vmem>>
      %parallel_loop3A_406 = tpu.memref_squeeze %parallel_loop3A_405 : memref<1x128x256xf32, #tpu.memory_space<vmem>> -> memref<128x256xf32, #tpu.memory_space<vmem>>
      %parallel_loop3A_407 = tpu.vector_load_idx %parallel_loop3A_406[%parallel_loop3A_390, %add3A_9] : memref<128x256xf32, #tpu.memory_space<vmem>>[vector<16xi32>, vector<16xi32>], vector<16xf32>,
      %parallel_loop3A_408 = arith.constant 0 : i32
      %parallel_loop3A_409 = arith.constant 0 : i32
      %parallel_loop3A_410 = tpu.memref_slice %arg5[%rem3A_251, %parallel_loop3A_408, %parallel_loop3A_409] : memref<2x128x128xf32, #tpu.memory_space<vmem>> -> memref<1x128x128xf32, #tpu.memory_space<vmem>>
      %parallel_loop3A_411 = tpu.memref_squeeze %parallel_loop3A_410 : memref<1x128x128xf32, #tpu.memory_space<vmem>> -> memref<128x128xf32, #tpu.memory_space<vmem>>
      %parallel_loop3A_412 = arith.index_cast %parallel_loop3A_389 : i32 to index
      %parallel_loop3A_413 = arith.constant 16 : index
      %parallel_loop3A_414 = tpu.vector_load %parallel_loop3A_411[%parallel_loop3A_412, %parallel_loop3A_413] {strides = array<i32>} : memref<128x128xf32, #tpu.memory_space<vmem>>, vector<16xf32>,
      tpu.vector_store %parallel_loop3A_411[%parallel_loop3A_412, %parallel_loop3A_413], %parallel_loop3A_407 {strides = array<i32>} : memref<128x128xf32, #tpu.memory_space<vmem>>, vector<16xf32>,
      %parallel_loop3A_415 = arith.constant 0 : i32
      %parallel_loop3A_416 = arith.constant 0 : i32
      %parallel_loop3A_417 = tpu.memref_slice %arg4[%rem3A_251, %parallel_loop3A_415, %parallel_loop3A_416] : memref<2x128x256xf32, #tpu.memory_space<vmem>> -> memref<1x128x256xf32, #tpu.memory_space<vmem>>
      %parallel_loop3A_418 = tpu.memref_squeeze %parallel_loop3A_417 : memref<1x128x256xf32, #tpu.memory_space<vmem>> -> memref<128x256xf32, #tpu.memory_space<vmem>>
      %parallel_loop3A_419 = tpu.vector_load_idx %parallel_loop3A_418[%parallel_loop3A_390, %add3A_12] : memref<128x256xf32, #tpu.memory_space<vmem>>[vector<16xi32>, vector<16xi32>], vector<16xf32>,
      %parallel_loop3A_420 = arith.constant 0 : i32
      %parallel_loop3A_421 = arith.constant 0 : i32
      %parallel_loop3A_422 = tpu.memref_slice %arg5[%rem3A_251, %parallel_loop3A_420, %parallel_loop3A_421] : memref<2x128x128xf32, #tpu.memory_space<vmem>> -> memref<1x128x128xf32, #tpu.memory_space<vmem>>
      %parallel_loop3A_423 = tpu.memref_squeeze %parallel_loop3A_422 : memref<1x128x128xf32, #tpu.memory_space<vmem>> -> memref<128x128xf32, #tpu.memory_space<vmem>>
      %parallel_loop3A_424 = arith.index_cast %parallel_loop3A_389 : i32 to index
      %parallel_loop3A_425 = arith.constant 32 : index
      %parallel_loop3A_426 = tpu.vector_load %parallel_loop3A_423[%parallel_loop3A_424, %parallel_loop3A_425] {strides = array<i32>} : memref<128x128xf32, #tpu.memory_space<vmem>>, vector<16xf32>,
      tpu.vector_store %parallel_loop3A_423[%parallel_loop3A_424, %parallel_loop3A_425], %parallel_loop3A_419 {strides = array<i32>} : memref<128x128xf32, #tpu.memory_space<vmem>>, vector<16xf32>,
      %parallel_loop3A_427 = arith.constant 0 : i32
      %parallel_loop3A_428 = arith.constant 0 : i32
      %parallel_loop3A_429 = tpu.memref_slice %arg4[%rem3A_251, %parallel_loop3A_427, %parallel_loop3A_428] : memref<2x128x256xf32, #tpu.memory_space<vmem>> -> memref<1x128x256xf32, #tpu.memory_space<vmem>>
      %parallel_loop3A_430 = tpu.memref_squeeze %parallel_loop3A_429 : memref<1x128x256xf32, #tpu.memory_space<vmem>> -> memref<128x256xf32, #tpu.memory_space<vmem>>
      %parallel_loop3A_431 = tpu.vector_load_idx %parallel_loop3A_430[%parallel_loop3A_390, %add3A_15] : memref<128x256xf32, #tpu.memory_space<vmem>>[vector<16xi32>, vector<16xi32>], vector<16xf32>,
      %parallel_loop3A_432 = arith.constant 0 : i32
      %parallel_loop3A_433 = arith.constant 0 : i32
      %parallel_loop3A_434 = tpu.memref_slice %arg5[%rem3A_251, %parallel_loop3A_432, %parallel_loop3A_433] : memref<2x128x128xf32, #tpu.memory_space<vmem>> -> memref<1x128x128xf32, #tpu.memory_space<vmem>>
      %parallel_loop3A_435 = tpu.memref_squeeze %parallel_loop3A_434 : memref<1x128x128xf32, #tpu.memory_space<vmem>> -> memref<128x128xf32, #tpu.memory_space<vmem>>
      %parallel_loop3A_436 = arith.index_cast %parallel_loop3A_389 : i32 to index
      %parallel_loop3A_437 = arith.constant 48 : index
      %parallel_loop3A_438 = tpu.vector_load %parallel_loop3A_435[%parallel_loop3A_436, %parallel_loop3A_437] {strides = array<i32>} : memref<128x128xf32, #tpu.memory_space<vmem>>, vector<16xf32>,
      tpu.vector_store %parallel_loop3A_435[%parallel_loop3A_436, %parallel_loop3A_437], %parallel_loop3A_431 {strides = array<i32>} : memref<128x128xf32, #tpu.memory_space<vmem>>, vector<16xf32>,
      %parallel_loop3A_439 = arith.constant 0 : i32
      %parallel_loop3A_440 = arith.constant 0 : i32
      %parallel_loop3A_441 = tpu.memref_slice %arg4[%rem3A_251, %parallel_loop3A_439, %parallel_loop3A_440] : memref<2x128x256xf32, #tpu.memory_space<vmem>> -> memref<1x128x256xf32, #tpu.memory_space<vmem>>
      %parallel_loop3A_442 = tpu.memref_squeeze %parallel_loop3A_441 : memref<1x128x256xf32, #tpu.memory_space<vmem>> -> memref<128x256xf32, #tpu.memory_space<vmem>>
      %parallel_loop3A_443 = tpu.vector_load_idx %parallel_loop3A_442[%parallel_loop3A_390, %add3A_18] : memref<128x256xf32, #tpu.memory_space<vmem>>[vector<16xi32>, vector<16xi32>], vector<16xf32>,
      %parallel_loop3A_444 = arith.constant 0 : i32
      %parallel_loop3A_445 = arith.constant 0 : i32
      %parallel_loop3A_446 = tpu.memref_slice %arg5[%rem3A_251, %parallel_loop3A_444, %parallel_loop3A_445] : memref<2x128x128xf32, #tpu.memory_space<vmem>> -> memref<1x128x128xf32, #tpu.memory_space<vmem>>
      %parallel_loop3A_447 = tpu.memref_squeeze %parallel_loop3A_446 : memref<1x128x128xf32, #tpu.memory_space<vmem>> -> memref<128x128xf32, #tpu.memory_space<vmem>>
      %parallel_loop3A_448 = arith.index_cast %parallel_loop3A_389 : i32 to index
      %parallel_loop3A_449 = arith.constant 64 : index
      %parallel_loop3A_450 = tpu.vector_load %parallel_loop3A_447[%parallel_loop3A_448, %parallel_loop3A_449] {strides = array<i32>} : memref<128x128xf32, #tpu.memory_space<vmem>>, vector<16xf32>,
      tpu.vector_store %parallel_loop3A_447[%parallel_loop3A_448, %parallel_loop3A_449], %parallel_loop3A_443 {strides = array<i32>} : memref<128x128xf32, #tpu.memory_space<vmem>>, vector<16xf32>,
      %parallel_loop3A_451 = arith.constant 0 : i32
      %parallel_loop3A_452 = arith.constant 0 : i32
      %parallel_loop3A_453 = tpu.memref_slice %arg4[%rem3A_251, %parallel_loop3A_451, %parallel_loop3A_452] : memref<2x128x256xf32, #tpu.memory_space<vmem>> -> memref<1x128x256xf32, #tpu.memory_space<vmem>>
      %parallel_loop3A_454 = tpu.memref_squeeze %parallel_loop3A_453 : memref<1x128x256xf32, #tpu.memory_space<vmem>> -> memref<128x256xf32, #tpu.memory_space<vmem>>
      %parallel_loop3A_455 = tpu.vector_load_idx %parallel_loop3A_454[%parallel_loop3A_390, %add3A_21] : memref<128x256xf32, #tpu.memory_space<vmem>>[vector<16xi32>, vector<16xi32>], vector<16xf32>,
      %parallel_loop3A_456 = arith.constant 0 : i32
      %parallel_loop3A_457 = arith.constant 0 : i32
      %parallel_loop3A_458 = tpu.memref_slice %arg5[%rem3A_251, %parallel_loop3A_456, %parallel_loop3A_457] : memref<2x128x128xf32, #tpu.memory_space<vmem>> -> memref<1x128x128xf32, #tpu.memory_space<vmem>>
      %parallel_loop3A_459 = tpu.memref_squeeze %parallel_loop3A_458 : memref<1x128x128xf32, #tpu.memory_space<vmem>> -> memref<128x128xf32, #tpu.memory_space<vmem>>
      %parallel_loop3A_460 = arith.index_cast %parallel_loop3A_389 : i32 to index
      %parallel_loop3A_461 = arith.constant 80 : index
      %parallel_loop3A_462 = tpu.vector_load %parallel_loop3A_459[%parallel_loop3A_460, %parallel_loop3A_461] {strides = array<i32>} : memref<128x128xf32, #tpu.memory_space<vmem>>, vector<16xf32>,
      tpu.vector_store %parallel_loop3A_459[%parallel_loop3A_460, %parallel_loop3A_461], %parallel_loop3A_455 {strides = array<i32>} : memref<128x128xf32, #tpu.memory_space<vmem>>, vector<16xf32>,
      %parallel_loop3A_463 = arith.constant 0 : i32
      %parallel_loop3A_464 = arith.constant 0 : i32
      %parallel_loop3A_465 = tpu.memref_slice %arg4[%rem3A_251, %parallel_loop3A_463, %parallel_loop3A_464] : memref<2x128x256xf32, #tpu.memory_space<vmem>> -> memref<1x128x256xf32, #tpu.memory_space<vmem>>
      %parallel_loop3A_466 = tpu.memref_squeeze %parallel_loop3A_465 : memref<1x128x256xf32, #tpu.memory_space<vmem>> -> memref<128x256xf32, #tpu.memory_space<vmem>>
      %parallel_loop3A_467 = tpu.vector_load_idx %parallel_loop3A_466[%parallel_loop3A_390, %add3A_24] : memref<128x256xf32, #tpu.memory_space<vmem>>[vector<16xi32>, vector<16xi32>], vector<16xf32>,
      %parallel_loop3A_468 = arith.constant 0 : i32
      %parallel_loop3A_469 = arith.constant 0 : i32
      %parallel_loop3A_470 = tpu.memref_slice %arg5[%rem3A_251, %parallel_loop3A_468, %parallel_loop3A_469] : memref<2x128x128xf32, #tpu.memory_space<vmem>> -> memref<1x128x128xf32, #tpu.memory_space<vmem>>
      %parallel_loop3A_471 = tpu.memref_squeeze %parallel_loop3A_470 : memref<1x128x128xf32, #tpu.memory_space<vmem>> -> memref<128x128xf32, #tpu.memory_space<vmem>>
      %parallel_loop3A_472 = arith.index_cast %parallel_loop3A_389 : i32 to index
      %parallel_loop3A_473 = arith.constant 96 : index
      %parallel_loop3A_474 = tpu.vector_load %parallel_loop3A_471[%parallel_loop3A_472, %parallel_loop3A_473] {strides = array<i32>} : memref<128x128xf32, #tpu.memory_space<vmem>>, vector<16xf32>,
      tpu.vector_store %parallel_loop3A_471[%parallel_loop3A_472, %parallel_loop3A_473], %parallel_loop3A_467 {strides = array<i32>} : memref<128x128xf32, #tpu.memory_space<vmem>>, vector<16xf32>,
      %parallel_loop3A_475 = arith.constant 0 : i32
      %parallel_loop3A_476 = arith.constant 0 : i32
      %parallel_loop3A_477 = tpu.memref_slice %arg4[%rem3A_251, %parallel_loop3A_475, %parallel_loop3A_476] : memref<2x128x256xf32, #tpu.memory_space<vmem>> -> memref<1x128x256xf32, #tpu.memory_space<vmem>>
      %parallel_loop3A_478 = tpu.memref_squeeze %parallel_loop3A_477 : memref<1x128x256xf32, #tpu.memory_space<vmem>> -> memref<128x256xf32, #tpu.memory_space<vmem>>
      %parallel_loop3A_479 = tpu.vector_load_idx %parallel_loop3A_478[%parallel_loop3A_390, %add3A_27] : memref<128x256xf32, #tpu.memory_space<vmem>>[vector<16xi32>, vector<16xi32>], vector<16xf32>,
      %parallel_loop3A_480 = arith.constant 0 : i32
      %parallel_loop3A_481 = arith.constant 0 : i32
      %parallel_loop3A_482 = tpu.memref_slice %arg5[%rem3A_251, %parallel_loop3A_480, %parallel_loop3A_481] : memref<2x128x128xf32, #tpu.memory_space<vmem>> -> memref<1x128x128xf32, #tpu.memory_space<vmem>>
      %parallel_loop3A_483 = tpu.memref_squeeze %parallel_loop3A_482 : memref<1x128x128xf32, #tpu.memory_space<vmem>> -> memref<128x128xf32, #tpu.memory_space<vmem>>
      %parallel_loop3A_484 = arith.index_cast %parallel_loop3A_389 : i32 to index
      %parallel_loop3A_485 = arith.constant 112 : index
      %parallel_loop3A_486 = tpu.vector_load %parallel_loop3A_483[%parallel_loop3A_484, %parallel_loop3A_485] {strides = array<i32>} : memref<128x128xf32, #tpu.memory_space<vmem>>, vector<16xf32>,
      tpu.vector_store %parallel_loop3A_483[%parallel_loop3A_484, %parallel_loop3A_485], %parallel_loop3A_479 {strides = array<i32>} : memref<128x128xf32, #tpu.memory_space<vmem>>, vector<16xf32>,
    } {sc.loop_unroll_factor = 2 : i64, sc.parallel_access}
    %rem3A_255 = arith.constant 2 : i32
    %rem3A_256 = arith.remsi %scan3A_183, %rem3A_255 : i32
    %mul3A_257 = arith.constant 512 : i32
    %mul3A_258 = arith.muli %add3A, %mul3A_257 : i32
    %mul3A_259 = arith.constant 128 : i32
    %mul3A_260 = arith.muli %scan3A_183, %mul3A_259 : i32
    %add3A_261 = arith.addi %mul3A_258, %mul3A_260 : i32
    %dma_start3A_262 = arith.constant 0 : i32
    %dma_start3A_263 = arith.constant 0 : i32
    %dma_start3A_264 = tpu.memref_slice %arg5[%rem3A_256, %dma_start3A_262, %dma_start3A_263] : memref<2x128x128xf32, #tpu.memory_space<vmem>> -> memref<1x128x128xf32, #tpu.memory_space<vmem>>
    %dma_start3A_265 = tpu.memref_squeeze %dma_start3A_264 : memref<1x128x128xf32, #tpu.memory_space<vmem>> -> memref<128x128xf32, #tpu.memory_space<vmem>>
    %dma_start3A_266 = arith.constant 0 : i32
    %dma_start3A_267 = tpu.memref_slice %arg3[%add3A_261, %dma_start3A_266] : memref<16384x128xf32, #tpu.memory_space<hbm>> -> memref<128x128xf32, #tpu.memory_space<hbm>>
    %dma_start3A_268 = tpu.memref_slice %arg7[%rem3A_256] : memref<2x!tpu.dma_semaphore, #tpu.memory_space<semaphore_mem>> -> memref<1x!tpu.dma_semaphore, #tpu.memory_space<semaphore_mem>>
    %dma_start3A_269 = tpu.memref_squeeze %dma_start3A_268 : memref<1x!tpu.dma_semaphore, #tpu.memory_space<semaphore_mem>> -> memref<!tpu.dma_semaphore, #tpu.memory_space<semaphore_mem>>
    %dma_start3A_270 = arith.constant 0 : i32
    %dma_start3A_271 = tpu.memref_slice %arg3[%add3A_261, %dma_start3A_270] : memref<16384x128xf32, #tpu.memory_space<hbm>> -> memref<128x128xf32, #tpu.memory_space<hbm>>
    %dma_start3A_272 = arith.constant 0 : i32
    %dma_start3A_273 = arith.constant 0 : i32
    %dma_start3A_274 = tpu.memref_slice %arg5[%rem3A_256, %dma_start3A_272, %dma_start3A_273] : memref<2x128x128xf32, #tpu.memory_space<vmem>> -> memref<1x128x128xf32, #tpu.memory_space<vmem>>
    %dma_start3A_275 = tpu.memref_squeeze %dma_start3A_274 : memref<1x128x128xf32, #tpu.memory_space<vmem>> -> memref<128x128xf32, #tpu.memory_space<vmem>>
    tpu.enqueue_dma source(%dma_start3A_275 : memref<128x128xf32, #tpu.memory_space<vmem>>) target(%dma_start3A_271 : memref<128x128xf32, #tpu.memory_space<hbm>>) target_semaphore(%dma_start3A_269 : memref<!tpu.dma_semaphore, #tpu.memory_space<semaphore_mem>>)
    %scan3A_276 = arith.constant 0 : i32
    %scan3A_277 = arith.constant 1 : i32
    %rem3A_278 = arith.constant 3 : i32
    %rem3A_279 = arith.constant 2 : i32
    %rem3A_280 = arith.remsi %rem3A_278, %rem3A_279 : i32
    %mul3A_281 = arith.constant 512 : i32
    %mul3A_282 = arith.muli %add3A, %mul3A_281 : i32
    %add3A_283 = arith.constant 384 : i32
    %add3A_284 = arith.addi %mul3A_282, %add3A_283 : i32
    %dma_wait3A_285 = arith.constant 0 : i32
    %dma_wait3A_286 = arith.constant 0 : i32
    %dma_wait3A_287 = tpu.memref_slice %arg4[%rem3A_280, %dma_wait3A_285, %dma_wait3A_286] : memref<2x128x256xf32, #tpu.memory_space<vmem>> -> memref<1x128x256xf32, #tpu.memory_space<vmem>>
    %dma_wait3A_288 = tpu.memref_squeeze %dma_wait3A_287 : memref<1x128x256xf32, #tpu.memory_space<vmem>> -> memref<128x256xf32, #tpu.memory_space<vmem>>
    %dma_wait3A_289 = arith.constant 0 : i32
    %dma_wait3A_290 = tpu.memref_slice %arg2[%add3A_284, %dma_wait3A_289] : memref<16384x256xf32, #tpu.memory_space<hbm>> -> memref<128x256xf32, #tpu.memory_space<hbm>>
    %dma_wait3A_291 = tpu.memref_slice %arg6[%rem3A_280] : memref<2x!tpu.dma_semaphore, #tpu.memory_space<semaphore_mem>> -> memref<1x!tpu.dma_semaphore, #tpu.memory_space<semaphore_mem>>
    %dma_wait3A_292 = tpu.memref_squeeze %dma_wait3A_291 : memref<1x!tpu.dma_semaphore, #tpu.memory_space<semaphore_mem>> -> memref<!tpu.dma_semaphore, #tpu.memory_space<semaphore_mem>>
    %dma_wait3A_293 = arith.constant 0 : i32
    %dma_wait3A_294 = arith.constant 0 : i32
    %dma_wait3A_295 = tpu.memref_slice %arg4[%rem3A_280, %dma_wait3A_293, %dma_wait3A_294] : memref<2x128x256xf32, #tpu.memory_space<vmem>> -> memref<1x128x256xf32, #tpu.memory_space<vmem>>
    %dma_wait3A_296 = tpu.memref_squeeze %dma_wait3A_295 : memref<1x128x256xf32, #tpu.memory_space<vmem>> -> memref<128x256xf32, #tpu.memory_space<vmem>>
    %dma_wait3A_297 = arith.constant 0 : i32
    %dma_wait3A_298 = tpu.memref_slice %arg2[%add3A_284, %dma_wait3A_297] : memref<16384x256xf32, #tpu.memory_space<hbm>> -> memref<128x256xf32, #tpu.memory_space<hbm>>
    tpu.wait_dma2 semaphore(%dma_wait3A_292 : memref<!tpu.dma_semaphore, #tpu.memory_space<semaphore_mem>>) src(%dma_wait3A_298 : memref<128x256xf32, #tpu.memory_space<hbm>>) dst(%dma_wait3A_296 : memref<128x256xf32, #tpu.memory_space<vmem>>)
    %rem3A_299 = arith.constant 1 : i32
    %rem3A_300 = arith.constant 2 : i32
    %rem3A_301 = arith.remsi %rem3A_299, %rem3A_300 : i32
    %mul3A_302 = arith.constant 512 : i32
    %mul3A_303 = arith.muli %add3A, %mul3A_302 : i32
    %add3A_304 = arith.constant 128 : i32
    %add3A_305 = arith.addi %mul3A_303, %add3A_304 : i32
    %dma_wait3A_306 = arith.constant 0 : i32
    %dma_wait3A_307 = arith.constant 0 : i32
    %dma_wait3A_308 = tpu.memref_slice %arg5[%rem3A_301, %dma_wait3A_306, %dma_wait3A_307] : memref<2x128x128xf32, #tpu.memory_space<vmem>> -> memref<1x128x128xf32, #tpu.memory_space<vmem>>
    %dma_wait3A_309 = tpu.memref_squeeze %dma_wait3A_308 : memref<1x128x128xf32, #tpu.memory_space<vmem>> -> memref<128x128xf32, #tpu.memory_space<vmem>>
    %dma_wait3A_310 = arith.constant 0 : i32
    %dma_wait3A_311 = tpu.memref_slice %arg3[%add3A_305, %dma_wait3A_310] : memref<16384x128xf32, #tpu.memory_space<hbm>> -> memref<128x128xf32, #tpu.memory_space<hbm>>
    %dma_wait3A_312 = tpu.memref_slice %arg7[%rem3A_301] : memref<2x!tpu.dma_semaphore, #tpu.memory_space<semaphore_mem>> -> memref<1x!tpu.dma_semaphore, #tpu.memory_space<semaphore_mem>>
    %dma_wait3A_313 = tpu.memref_squeeze %dma_wait3A_312 : memref<1x!tpu.dma_semaphore, #tpu.memory_space<semaphore_mem>> -> memref<!tpu.dma_semaphore, #tpu.memory_space<semaphore_mem>>
    %dma_wait3A_314 = arith.constant 0 : i32
    %dma_wait3A_315 = tpu.memref_slice %arg3[%add3A_305, %dma_wait3A_314] : memref<16384x128xf32, #tpu.memory_space<hbm>> -> memref<128x128xf32, #tpu.memory_space<hbm>>
    %dma_wait3A_316 = arith.constant 0 : i32
    %dma_wait3A_317 = arith.constant 0 : i32
    %dma_wait3A_318 = tpu.memref_slice %arg5[%rem3A_301, %dma_wait3A_316, %dma_wait3A_317] : memref<2x128x128xf32, #tpu.memory_space<vmem>> -> memref<1x128x128xf32, #tpu.memory_space<vmem>>
    %dma_wait3A_319 = tpu.memref_squeeze %dma_wait3A_318 : memref<1x128x128xf32, #tpu.memory_space<vmem>> -> memref<128x128xf32, #tpu.memory_space<vmem>>
    tpu.wait_dma2 semaphore(%dma_wait3A_313 : memref<!tpu.dma_semaphore, #tpu.memory_space<semaphore_mem>>) src(%dma_wait3A_319 : memref<128x128xf32, #tpu.memory_space<vmem>>) dst(%dma_wait3A_315 : memref<128x128xf32, #tpu.memory_space<hbm>>)
    %rem3A_320 = arith.constant 3 : i32
    %rem3A_321 = arith.constant 2 : i32
    %rem3A_322 = arith.remsi %rem3A_320, %rem3A_321 : i32
    %parallel_loop3A_323 = arith.constant 0 : i32
    %parallel_loop3A_324 = arith.constant 128 : i32
    %parallel_loop3A_325 = arith.constant 1 : i32
    scf.for %parallel_loop3A_389 = %parallel_loop3A_323 to %parallel_loop3A_324 step %parallel_loop3A_325  : i32 {
      %parallel_loop3A_390 = vector.broadcast %parallel_loop3A_389 : i32 to vector<16xi32>
      %parallel_loop3A_391 = arith.constant 0 : i32
      %parallel_loop3A_392 = arith.constant 0 : i32
      %parallel_loop3A_393 = tpu.memref_slice %arg4[%rem3A_322, %parallel_loop3A_391, %parallel_loop3A_392] : memref<2x128x256xf32, #tpu.memory_space<vmem>> -> memref<1x128x256xf32, #tpu.memory_space<vmem>>
      %parallel_loop3A_394 = tpu.memref_squeeze %parallel_loop3A_393 : memref<1x128x256xf32, #tpu.memory_space<vmem>> -> memref<128x256xf32, #tpu.memory_space<vmem>>
      %parallel_loop3A_395 = tpu.vector_load_idx %parallel_loop3A_394[%parallel_loop3A_390, %add3A_6] : memref<128x256xf32, #tpu.memory_space<vmem>>[vector<16xi32>, vector<16xi32>], vector<16xf32>,
      %parallel_loop3A_396 = arith.constant 0 : i32
      %parallel_loop3A_397 = arith.constant 0 : i32
      %parallel_loop3A_398 = tpu.memref_slice %arg5[%rem3A_322, %parallel_loop3A_396, %parallel_loop3A_397] : memref<2x128x128xf32, #tpu.memory_space<vmem>> -> memref<1x128x128xf32, #tpu.memory_space<vmem>>
      %parallel_loop3A_399 = tpu.memref_squeeze %parallel_loop3A_398 : memref<1x128x128xf32, #tpu.memory_space<vmem>> -> memref<128x128xf32, #tpu.memory_space<vmem>>
      %parallel_loop3A_400 = arith.index_cast %parallel_loop3A_389 : i32 to index
      %parallel_loop3A_401 = arith.constant 0 : index
      %parallel_loop3A_402 = tpu.vector_load %parallel_loop3A_399[%parallel_loop3A_400, %parallel_loop3A_401] {strides = array<i32>} : memref<128x128xf32, #tpu.memory_space<vmem>>, vector<16xf32>,
      tpu.vector_store %parallel_loop3A_399[%parallel_loop3A_400, %parallel_loop3A_401], %parallel_loop3A_395 {strides = array<i32>} : memref<128x128xf32, #tpu.memory_space<vmem>>, vector<16xf32>,
      %parallel_loop3A_403 = arith.constant 0 : i32
      %parallel_loop3A_404 = arith.constant 0 : i32
      %parallel_loop3A_405 = tpu.memref_slice %arg4[%rem3A_322, %parallel_loop3A_403, %parallel_loop3A_404] : memref<2x128x256xf32, #tpu.memory_space<vmem>> -> memref<1x128x256xf32, #tpu.memory_space<vmem>>
      %parallel_loop3A_406 = tpu.memref_squeeze %parallel_loop3A_405 : memref<1x128x256xf32, #tpu.memory_space<vmem>> -> memref<128x256xf32, #tpu.memory_space<vmem>>
      %parallel_loop3A_407 = tpu.vector_load_idx %parallel_loop3A_406[%parallel_loop3A_390, %add3A_9] : memref<128x256xf32, #tpu.memory_space<vmem>>[vector<16xi32>, vector<16xi32>], vector<16xf32>,
      %parallel_loop3A_408 = arith.constant 0 : i32
      %parallel_loop3A_409 = arith.constant 0 : i32
      %parallel_loop3A_410 = tpu.memref_slice %arg5[%rem3A_322, %parallel_loop3A_408, %parallel_loop3A_409] : memref<2x128x128xf32, #tpu.memory_space<vmem>> -> memref<1x128x128xf32, #tpu.memory_space<vmem>>
      %parallel_loop3A_411 = tpu.memref_squeeze %parallel_loop3A_410 : memref<1x128x128xf32, #tpu.memory_space<vmem>> -> memref<128x128xf32, #tpu.memory_space<vmem>>
      %parallel_loop3A_412 = arith.index_cast %parallel_loop3A_389 : i32 to index
      %parallel_loop3A_413 = arith.constant 16 : index
      %parallel_loop3A_414 = tpu.vector_load %parallel_loop3A_411[%parallel_loop3A_412, %parallel_loop3A_413] {strides = array<i32>} : memref<128x128xf32, #tpu.memory_space<vmem>>, vector<16xf32>,
      tpu.vector_store %parallel_loop3A_411[%parallel_loop3A_412, %parallel_loop3A_413], %parallel_loop3A_407 {strides = array<i32>} : memref<128x128xf32, #tpu.memory_space<vmem>>, vector<16xf32>,
      %parallel_loop3A_415 = arith.constant 0 : i32
      %parallel_loop3A_416 = arith.constant 0 : i32
      %parallel_loop3A_417 = tpu.memref_slice %arg4[%rem3A_322, %parallel_loop3A_415, %parallel_loop3A_416] : memref<2x128x256xf32, #tpu.memory_space<vmem>> -> memref<1x128x256xf32, #tpu.memory_space<vmem>>
      %parallel_loop3A_418 = tpu.memref_squeeze %parallel_loop3A_417 : memref<1x128x256xf32, #tpu.memory_space<vmem>> -> memref<128x256xf32, #tpu.memory_space<vmem>>
      %parallel_loop3A_419 = tpu.vector_load_idx %parallel_loop3A_418[%parallel_loop3A_390, %add3A_12] : memref<128x256xf32, #tpu.memory_space<vmem>>[vector<16xi32>, vector<16xi32>], vector<16xf32>,
      %parallel_loop3A_420 = arith.constant 0 : i32
      %parallel_loop3A_421 = arith.constant 0 : i32
      %parallel_loop3A_422 = tpu.memref_slice %arg5[%rem3A_322, %parallel_loop3A_420, %parallel_loop3A_421] : memref<2x128x128xf32, #tpu.memory_space<vmem>> -> memref<1x128x128xf32, #tpu.memory_space<vmem>>
      %parallel_loop3A_423 = tpu.memref_squeeze %parallel_loop3A_422 : memref<1x128x128xf32, #tpu.memory_space<vmem>> -> memref<128x128xf32, #tpu.memory_space<vmem>>
      %parallel_loop3A_424 = arith.index_cast %parallel_loop3A_389 : i32 to index
      %parallel_loop3A_425 = arith.constant 32 : index
      %parallel_loop3A_426 = tpu.vector_load %parallel_loop3A_423[%parallel_loop3A_424, %parallel_loop3A_425] {strides = array<i32>} : memref<128x128xf32, #tpu.memory_space<vmem>>, vector<16xf32>,
      tpu.vector_store %parallel_loop3A_423[%parallel_loop3A_424, %parallel_loop3A_425], %parallel_loop3A_419 {strides = array<i32>} : memref<128x128xf32, #tpu.memory_space<vmem>>, vector<16xf32>,
      %parallel_loop3A_427 = arith.constant 0 : i32
      %parallel_loop3A_428 = arith.constant 0 : i32
      %parallel_loop3A_429 = tpu.memref_slice %arg4[%rem3A_322, %parallel_loop3A_427, %parallel_loop3A_428] : memref<2x128x256xf32, #tpu.memory_space<vmem>> -> memref<1x128x256xf32, #tpu.memory_space<vmem>>
      %parallel_loop3A_430 = tpu.memref_squeeze %parallel_loop3A_429 : memref<1x128x256xf32, #tpu.memory_space<vmem>> -> memref<128x256xf32, #tpu.memory_space<vmem>>
      %parallel_loop3A_431 = tpu.vector_load_idx %parallel_loop3A_430[%parallel_loop3A_390, %add3A_15] : memref<128x256xf32, #tpu.memory_space<vmem>>[vector<16xi32>, vector<16xi32>], vector<16xf32>,
      %parallel_loop3A_432 = arith.constant 0 : i32
      %parallel_loop3A_433 = arith.constant 0 : i32
      %parallel_loop3A_434 = tpu.memref_slice %arg5[%rem3A_322, %parallel_loop3A_432, %parallel_loop3A_433] : memref<2x128x128xf32, #tpu.memory_space<vmem>> -> memref<1x128x128xf32, #tpu.memory_space<vmem>>
      %parallel_loop3A_435 = tpu.memref_squeeze %parallel_loop3A_434 : memref<1x128x128xf32, #tpu.memory_space<vmem>> -> memref<128x128xf32, #tpu.memory_space<vmem>>
      %parallel_loop3A_436 = arith.index_cast %parallel_loop3A_389 : i32 to index
      %parallel_loop3A_437 = arith.constant 48 : index
      %parallel_loop3A_438 = tpu.vector_load %parallel_loop3A_435[%parallel_loop3A_436, %parallel_loop3A_437] {strides = array<i32>} : memref<128x128xf32, #tpu.memory_space<vmem>>, vector<16xf32>,
      tpu.vector_store %parallel_loop3A_435[%parallel_loop3A_436, %parallel_loop3A_437], %parallel_loop3A_431 {strides = array<i32>} : memref<128x128xf32, #tpu.memory_space<vmem>>, vector<16xf32>,
      %parallel_loop3A_439 = arith.constant 0 : i32
      %parallel_loop3A_440 = arith.constant 0 : i32
      %parallel_loop3A_441 = tpu.memref_slice %arg4[%rem3A_322, %parallel_loop3A_439, %parallel_loop3A_440] : memref<2x128x256xf32, #tpu.memory_space<vmem>> -> memref<1x128x256xf32, #tpu.memory_space<vmem>>
      %parallel_loop3A_442 = tpu.memref_squeeze %parallel_loop3A_441 : memref<1x128x256xf32, #tpu.memory_space<vmem>> -> memref<128x256xf32, #tpu.memory_space<vmem>>
      %parallel_loop3A_443 = tpu.vector_load_idx %parallel_loop3A_442[%parallel_loop3A_390, %add3A_18] : memref<128x256xf32, #tpu.memory_space<vmem>>[vector<16xi32>, vector<16xi32>], vector<16xf32>,
      %parallel_loop3A_444 = arith.constant 0 : i32
      %parallel_loop3A_445 = arith.constant 0 : i32
      %parallel_loop3A_446 = tpu.memref_slice %arg5[%rem3A_322, %parallel_loop3A_444, %parallel_loop3A_445] : memref<2x128x128xf32, #tpu.memory_space<vmem>> -> memref<1x128x128xf32, #tpu.memory_space<vmem>>
      %parallel_loop3A_447 = tpu.memref_squeeze %parallel_loop3A_446 : memref<1x128x128xf32, #tpu.memory_space<vmem>> -> memref<128x128xf32, #tpu.memory_space<vmem>>
      %parallel_loop3A_448 = arith.index_cast %parallel_loop3A_389 : i32 to index
      %parallel_loop3A_449 = arith.constant 64 : index
      %parallel_loop3A_450 = tpu.vector_load %parallel_loop3A_447[%parallel_loop3A_448, %parallel_loop3A_449] {strides = array<i32>} : memref<128x128xf32, #tpu.memory_space<vmem>>, vector<16xf32>,
      tpu.vector_store %parallel_loop3A_447[%parallel_loop3A_448, %parallel_loop3A_449], %parallel_loop3A_443 {strides = array<i32>} : memref<128x128xf32, #tpu.memory_space<vmem>>, vector<16xf32>,
      %parallel_loop3A_451 = arith.constant 0 : i32
      %parallel_loop3A_452 = arith.constant 0 : i32
      %parallel_loop3A_453 = tpu.memref_slice %arg4[%rem3A_322, %parallel_loop3A_451, %parallel_loop3A_452] : memref<2x128x256xf32, #tpu.memory_space<vmem>> -> memref<1x128x256xf32, #tpu.memory_space<vmem>>
      %parallel_loop3A_454 = tpu.memref_squeeze %parallel_loop3A_453 : memref<1x128x256xf32, #tpu.memory_space<vmem>> -> memref<128x256xf32, #tpu.memory_space<vmem>>
      %parallel_loop3A_455 = tpu.vector_load_idx %parallel_loop3A_454[%parallel_loop3A_390, %add3A_21] : memref<128x256xf32, #tpu.memory_space<vmem>>[vector<16xi32>, vector<16xi32>], vector<16xf32>,
      %parallel_loop3A_456 = arith.constant 0 : i32
      %parallel_loop3A_457 = arith.constant 0 : i32
      %parallel_loop3A_458 = tpu.memref_slice %arg5[%rem3A_322, %parallel_loop3A_456, %parallel_loop3A_457] : memref<2x128x128xf32, #tpu.memory_space<vmem>> -> memref<1x128x128xf32, #tpu.memory_space<vmem>>
      %parallel_loop3A_459 = tpu.memref_squeeze %parallel_loop3A_458 : memref<1x128x128xf32, #tpu.memory_space<vmem>> -> memref<128x128xf32, #tpu.memory_space<vmem>>
      %parallel_loop3A_460 = arith.index_cast %parallel_loop3A_389 : i32 to index
      %parallel_loop3A_461 = arith.constant 80 : index
      %parallel_loop3A_462 = tpu.vector_load %parallel_loop3A_459[%parallel_loop3A_460, %parallel_loop3A_461] {strides = array<i32>} : memref<128x128xf32, #tpu.memory_space<vmem>>, vector<16xf32>,
      tpu.vector_store %parallel_loop3A_459[%parallel_loop3A_460, %parallel_loop3A_461], %parallel_loop3A_455 {strides = array<i32>} : memref<128x128xf32, #tpu.memory_space<vmem>>, vector<16xf32>,
      %parallel_loop3A_463 = arith.constant 0 : i32
      %parallel_loop3A_464 = arith.constant 0 : i32
      %parallel_loop3A_465 = tpu.memref_slice %arg4[%rem3A_322, %parallel_loop3A_463, %parallel_loop3A_464] : memref<2x128x256xf32, #tpu.memory_space<vmem>> -> memref<1x128x256xf32, #tpu.memory_space<vmem>>
      %parallel_loop3A_466 = tpu.memref_squeeze %parallel_loop3A_465 : memref<1x128x256xf32, #tpu.memory_space<vmem>> -> memref<128x256xf32, #tpu.memory_space<vmem>>
      %parallel_loop3A_467 = tpu.vector_load_idx %parallel_loop3A_466[%parallel_loop3A_390, %add3A_24] : memref<128x256xf32, #tpu.memory_space<vmem>>[vector<16xi32>, vector<16xi32>], vector<16xf32>,
      %parallel_loop3A_468 = arith.constant 0 : i32
      %parallel_loop3A_469 = arith.constant 0 : i32
      %parallel_loop3A_470 = tpu.memref_slice %arg5[%rem3A_322, %parallel_loop3A_468, %parallel_loop3A_469] : memref<2x128x128xf32, #tpu.memory_space<vmem>> -> memref<1x128x128xf32, #tpu.memory_space<vmem>>
      %parallel_loop3A_471 = tpu.memref_squeeze %parallel_loop3A_470 : memref<1x128x128xf32, #tpu.memory_space<vmem>> -> memref<128x128xf32, #tpu.memory_space<vmem>>
      %parallel_loop3A_472 = arith.index_cast %parallel_loop3A_389 : i32 to index
      %parallel_loop3A_473 = arith.constant 96 : index
      %parallel_loop3A_474 = tpu.vector_load %parallel_loop3A_471[%parallel_loop3A_472, %parallel_loop3A_473] {strides = array<i32>} : memref<128x128xf32, #tpu.memory_space<vmem>>, vector<16xf32>,
      tpu.vector_store %parallel_loop3A_471[%parallel_loop3A_472, %parallel_loop3A_473], %parallel_loop3A_467 {strides = array<i32>} : memref<128x128xf32, #tpu.memory_space<vmem>>, vector<16xf32>,
      %parallel_loop3A_475 = arith.constant 0 : i32
      %parallel_loop3A_476 = arith.constant 0 : i32
      %parallel_loop3A_477 = tpu.memref_slice %arg4[%rem3A_322, %parallel_loop3A_475, %parallel_loop3A_476] : memref<2x128x256xf32, #tpu.memory_space<vmem>> -> memref<1x128x256xf32, #tpu.memory_space<vmem>>
      %parallel_loop3A_478 = tpu.memref_squeeze %parallel_loop3A_477 : memref<1x128x256xf32, #tpu.memory_space<vmem>> -> memref<128x256xf32, #tpu.memory_space<vmem>>
      %parallel_loop3A_479 = tpu.vector_load_idx %parallel_loop3A_478[%parallel_loop3A_390, %add3A_27] : memref<128x256xf32, #tpu.memory_space<vmem>>[vector<16xi32>, vector<16xi32>], vector<16xf32>,
      %parallel_loop3A_480 = arith.constant 0 : i32
      %parallel_loop3A_481 = arith.constant 0 : i32
      %parallel_loop3A_482 = tpu.memref_slice %arg5[%rem3A_322, %parallel_loop3A_480, %parallel_loop3A_481] : memref<2x128x128xf32, #tpu.memory_space<vmem>> -> memref<1x128x128xf32, #tpu.memory_space<vmem>>
      %parallel_loop3A_483 = tpu.memref_squeeze %parallel_loop3A_482 : memref<1x128x128xf32, #tpu.memory_space<vmem>> -> memref<128x128xf32, #tpu.memory_space<vmem>>
      %parallel_loop3A_484 = arith.index_cast %parallel_loop3A_389 : i32 to index
      %parallel_loop3A_485 = arith.constant 112 : index
      %parallel_loop3A_486 = tpu.vector_load %parallel_loop3A_483[%parallel_loop3A_484, %parallel_loop3A_485] {strides = array<i32>} : memref<128x128xf32, #tpu.memory_space<vmem>>, vector<16xf32>,
      tpu.vector_store %parallel_loop3A_483[%parallel_loop3A_484, %parallel_loop3A_485], %parallel_loop3A_479 {strides = array<i32>} : memref<128x128xf32, #tpu.memory_space<vmem>>, vector<16xf32>,
    } {sc.loop_unroll_factor = 2 : i64, sc.parallel_access}
    %rem3A_326 = arith.constant 3 : i32
    %rem3A_327 = arith.constant 2 : i32
    %rem3A_328 = arith.remsi %rem3A_326, %rem3A_327 : i32
    %mul3A_329 = arith.constant 512 : i32
    %mul3A_330 = arith.muli %add3A, %mul3A_329 : i32
    %add3A_331 = arith.constant 384 : i32
    %add3A_332 = arith.addi %mul3A_330, %add3A_331 : i32
    %dma_start3A_333 = arith.constant 0 : i32
    %dma_start3A_334 = arith.constant 0 : i32
    %dma_start3A_335 = tpu.memref_slice %arg5[%rem3A_328, %dma_start3A_333, %dma_start3A_334] : memref<2x128x128xf32, #tpu.memory_space<vmem>> -> memref<1x128x128xf32, #tpu.memory_space<vmem>>
    %dma_start3A_336 = tpu.memref_squeeze %dma_start3A_335 : memref<1x128x128xf32, #tpu.memory_space<vmem>> -> memref<128x128xf32, #tpu.memory_space<vmem>>
    %dma_start3A_337 = arith.constant 0 : i32
    %dma_start3A_338 = tpu.memref_slice %arg3[%add3A_332, %dma_start3A_337] : memref<16384x128xf32, #tpu.memory_space<hbm>> -> memref<128x128xf32, #tpu.memory_space<hbm>>
    %dma_start3A_339 = tpu.memref_slice %arg7[%rem3A_328] : memref<2x!tpu.dma_semaphore, #tpu.memory_space<semaphore_mem>> -> memref<1x!tpu.dma_semaphore, #tpu.memory_space<semaphore_mem>>
    %dma_start3A_340 = tpu.memref_squeeze %dma_start3A_339 : memref<1x!tpu.dma_semaphore, #tpu.memory_space<semaphore_mem>> -> memref<!tpu.dma_semaphore, #tpu.memory_space<semaphore_mem>>
    %dma_start3A_341 = arith.constant 0 : i32
    %dma_start3A_342 = tpu.memref_slice %arg3[%add3A_332, %dma_start3A_341] : memref<16384x128xf32, #tpu.memory_space<hbm>> -> memref<128x128xf32, #tpu.memory_space<hbm>>
    %dma_start3A_343 = arith.constant 0 : i32
    %dma_start3A_344 = arith.constant 0 : i32
    %dma_start3A_345 = tpu.memref_slice %arg5[%rem3A_328, %dma_start3A_343, %dma_start3A_344] : memref<2x128x128xf32, #tpu.memory_space<vmem>> -> memref<1x128x128xf32, #tpu.memory_space<vmem>>
    %dma_start3A_346 = tpu.memref_squeeze %dma_start3A_345 : memref<1x128x128xf32, #tpu.memory_space<vmem>> -> memref<128x128xf32, #tpu.memory_space<vmem>>
    tpu.enqueue_dma source(%dma_start3A_346 : memref<128x128xf32, #tpu.memory_space<vmem>>) target(%dma_start3A_342 : memref<128x128xf32, #tpu.memory_space<hbm>>) target_semaphore(%dma_start3A_340 : memref<!tpu.dma_semaphore, #tpu.memory_space<semaphore_mem>>)
    %rem3A_347 = arith.constant 2 : i32
    %rem3A_348 = arith.constant 2 : i32
    %rem3A_349 = arith.remsi %rem3A_347, %rem3A_348 : i32
    %mul3A_350 = arith.constant 512 : i32
    %mul3A_351 = arith.muli %add3A, %mul3A_350 : i32
    %add3A_352 = arith.constant 256 : i32
    %add3A_353 = arith.addi %mul3A_351, %add3A_352 : i32
    %dma_wait3A_354 = arith.constant 0 : i32
    %dma_wait3A_355 = arith.constant 0 : i32
    %dma_wait3A_356 = tpu.memref_slice %arg5[%rem3A_349, %dma_wait3A_354, %dma_wait3A_355] : memref<2x128x128xf32, #tpu.memory_space<vmem>> -> memref<1x128x128xf32, #tpu.memory_space<vmem>>
    %dma_wait3A_357 = tpu.memref_squeeze %dma_wait3A_356 : memref<1x128x128xf32, #tpu.memory_space<vmem>> -> memref<128x128xf32, #tpu.memory_space<vmem>>
    %dma_wait3A_358 = arith.constant 0 : i32
    %dma_wait3A_359 = tpu.memref_slice %arg3[%add3A_353, %dma_wait3A_358] : memref<16384x128xf32, #tpu.memory_space<hbm>> -> memref<128x128xf32, #tpu.memory_space<hbm>>
    %dma_wait3A_360 = tpu.memref_slice %arg7[%rem3A_349] : memref<2x!tpu.dma_semaphore, #tpu.memory_space<semaphore_mem>> -> memref<1x!tpu.dma_semaphore, #tpu.memory_space<semaphore_mem>>
    %dma_wait3A_361 = tpu.memref_squeeze %dma_wait3A_360 : memref<1x!tpu.dma_semaphore, #tpu.memory_space<semaphore_mem>> -> memref<!tpu.dma_semaphore, #tpu.memory_space<semaphore_mem>>
    %dma_wait3A_362 = arith.constant 0 : i32
    %dma_wait3A_363 = tpu.memref_slice %arg3[%add3A_353, %dma_wait3A_362] : memref<16384x128xf32, #tpu.memory_space<hbm>> -> memref<128x128xf32, #tpu.memory_space<hbm>>
    %dma_wait3A_364 = arith.constant 0 : i32
    %dma_wait3A_365 = arith.constant 0 : i32
    %dma_wait3A_366 = tpu.memref_slice %arg5[%rem3A_349, %dma_wait3A_364, %dma_wait3A_365] : memref<2x128x128xf32, #tpu.memory_space<vmem>> -> memref<1x128x128xf32, #tpu.memory_space<vmem>>
    %dma_wait3A_367 = tpu.memref_squeeze %dma_wait3A_366 : memref<1x128x128xf32, #tpu.memory_space<vmem>> -> memref<128x128xf32, #tpu.memory_space<vmem>>
    tpu.wait_dma2 semaphore(%dma_wait3A_361 : memref<!tpu.dma_semaphore, #tpu.memory_space<semaphore_mem>>) src(%dma_wait3A_367 : memref<128x128xf32, #tpu.memory_space<vmem>>) dst(%dma_wait3A_363 : memref<128x128xf32, #tpu.memory_space<hbm>>)
    %rem3A_368 = arith.constant 3 : i32
    %rem3A_369 = arith.constant 2 : i32
    %rem3A_370 = arith.remsi %rem3A_368, %rem3A_369 : i32
    %mul3A_371 = arith.constant 512 : i32
    %mul3A_372 = arith.muli %add3A, %mul3A_371 : i32
    %add3A_373 = arith.constant 384 : i32
    %add3A_374 = arith.addi %mul3A_372, %add3A_373 : i32
    %dma_wait3A_375 = arith.constant 0 : i32
    %dma_wait3A_376 = arith.constant 0 : i32
    %dma_wait3A_377 = tpu.memref_slice %arg5[%rem3A_370, %dma_wait3A_375, %dma_wait3A_376] : memref<2x128x128xf32, #tpu.memory_space<vmem>> -> memref<1x128x128xf32, #tpu.memory_space<vmem>>
    %dma_wait3A_378 = tpu.memref_squeeze %dma_wait3A_377 : memref<1x128x128xf32, #tpu.memory_space<vmem>> -> memref<128x128xf32, #tpu.memory_space<vmem>>
    %dma_wait3A_379 = arith.constant 0 : i32
    %dma_wait3A_380 = tpu.memref_slice %arg3[%add3A_374, %dma_wait3A_379] : memref<16384x128xf32, #tpu.memory_space<hbm>> -> memref<128x128xf32, #tpu.memory_space<hbm>>
    %dma_wait3A_381 = tpu.memref_slice %arg7[%rem3A_370] : memref<2x!tpu.dma_semaphore, #tpu.memory_space<semaphore_mem>> -> memref<1x!tpu.dma_semaphore, #tpu.memory_space<semaphore_mem>>
    %dma_wait3A_382 = tpu.memref_squeeze %dma_wait3A_381 : memref<1x!tpu.dma_semaphore, #tpu.memory_space<semaphore_mem>> -> memref<!tpu.dma_semaphore, #tpu.memory_space<semaphore_mem>>
    %dma_wait3A_383 = arith.constant 0 : i32
    %dma_wait3A_384 = tpu.memref_slice %arg3[%add3A_374, %dma_wait3A_383] : memref<16384x128xf32, #tpu.memory_space<hbm>> -> memref<128x128xf32, #tpu.memory_space<hbm>>
    %dma_wait3A_385 = arith.constant 0 : i32
    %dma_wait3A_386 = arith.constant 0 : i32
    %dma_wait3A_387 = tpu.memref_slice %arg5[%rem3A_370, %dma_wait3A_385, %dma_wait3A_386] : memref<2x128x128xf32, #tpu.memory_space<vmem>> -> memref<1x128x128xf32, #tpu.memory_space<vmem>>
    %dma_wait3A_388 = tpu.memref_squeeze %dma_wait3A_387 : memref<1x128x128xf32, #tpu.memory_space<vmem>> -> memref<128x128xf32, #tpu.memory_space<vmem>>
    tpu.wait_dma2 semaphore(%dma_wait3A_382 : memref<!tpu.dma_semaphore, #tpu.memory_space<semaphore_mem>>) src(%dma_wait3A_388 : memref<128x128xf32, #tpu.memory_space<vmem>>) dst(%dma_wait3A_384 : memref<128x128xf32, #tpu.memory_space<hbm>>)
    return
  }
}

</mosaic_0001>

<sc_bundles>
// kernel: kernel.3.cloned.1.call-start
scs
__scs_entry_jumppad:
0x0: {  	(pc) =	sbr.rel $0x88, $3  }
0x1: {  	(tag) =	ssettag $0x0;
	lr =	simm.s32 $0x1  }
0x2: {  	[smem:$0x3FA0] =	sst lr;
	_ =	strace $0xD0000000  }
0x3: {  	_ = 	snop  }
0x4: {  	_ = 	snop  }
0x5: {  	_ = 	snop  }
0x6: {  	_ = 	snop  }
0x7: {  	_ = 	snop  }
__scs_overlays_trampoline_lowered:
0x8: {  	[smem:$0x3FAF] =	sst s0  }
0x9: {  	[smem:$0x3FB0] =	sst s1  }
0xa: {  	[smem:$0x3FB1] =	sst s2  }
0xb: {  	[smem:$0x3FB2] =	sst s3  }
0xc: {  	[smem:$0x3FB3] =	sst s4  }
0xd: {  	[smem:$0x3FB4] =	sst s5  }
0xe: {  	[smem:$0x3FB5] =	sst s6  }
0xf: {  	[smem:$0x3FB6] =	sst s7  }
0x10: {  	[smem:$0x3FB7] =	sst s8  }
0x11: {  	[smem:$0x3FB8] =	sst s9;
	s0 =	simm.s32 @!p0 $0x0  }
0x12: {  	s1 =	sld [smem:$0x3F9E];
	s0 =	simm.s32 @p0 $0x1  }
0x13: {  	[smem:$0x3FB9] =	sst s0;
	s0 =	simm.s32 @!p1 $0x0  }
0x14: {  	s2 =	sld [smem:$0x3F9D];
	s0 =	simm.s32 @p1 $0x1  }
0x15: {  	[smem:$0x3FBA] =	sst s0;
	s0 =	simm.s32 @!p2 $0x0  }
0x16: {  	s3 =	sld [smem:$0x3FDB];
	s0 =	simm.s32 @p2 $0x1  }
0x17: {  	s4 =	simm.s32 $0x1BF5;
	[smem:$0x3FBC] =	sst s0  }
0x18: {  	s0 =	sld [smem:$0x3F9F];
	_ =	swait.ge [sflag:s4], $0x0  }
0x19: {  	s7 =	sld [smem:$0x3FA0]  }
0x1a: {  	s8 =	sadd.s32 $0xFFFFE003, lr  }
0x1b: {  	s9 =	sadd.s32 $0xFFFFFEF7, lr;
	s5 =	simm.s32 $0xFFFFFFFF;
	p2 =	slt.u32 s8, $0xFFFFF086  }
0x1c: {  	p1 =	slt.u32 s9, $0xF7A;
	s5 =	simm.s32 @!p2 $0x0  }
0x1d: {  	s5 =	simm.s32 @p1 $0x1;
	p0 =	seq.s32 s7, s2  }
0x1e: {  	s7 =	smul.u32 @!p0 $0xF7A, s2;
	p2 =	seq.s32 @!p0 s5, $0x0  }
0x1f: {  	s9 =	smul.u32 $0xF7A, s1;
	s8 =	simm.s32 @!p0 $0x1BF5;
	p2 =	por !p2, p0  }
0x20: {  	[sflag:s8] =	ssyncset.s32 @!p0 $0xFFFFF086;
	s6 =	sadd.s32 @!p0 s3, s7;
	s7 =	simm.s32 @!p0 $0x108  }
0x21: {  	s3 =	sadd.s32 s3, s9;
	s6 =	sadd.s32 @!p0 $0x88, s6;
	s7 =	simm.s32 @p2 $0x1082  }
0x22: {  	[simem:s7], [sflag:s8] =	dma.local @!p0 [hbm:s6], $0xF7A  }
0x23: {  	s9 =	sor.u32 $0xD0000000, s2;
	s6 =	simm.s32 $0x108;
	_ =	swait.ge @!p0 [sflag:s8], $0x0  }
0x24: {  	s3 =	sadd.s32 $0x88, s3;
	s6 =	simm.s32 @!p1 $0x1082;
	[sflag:s4] =	ssyncset.s32 $0xFFFFF086  }
0x25: {  	[simem:s6], [sflag:s4] =	dma.local [hbm:s3], $0xF7A  }
0x26: {  	[smem:$0x3FA0] =	sst s1;
	(tag) =	ssettag s2;
	_ =	strace s9  }
0x27: {  	s1 =	sld [smem:$0x3FB0]  }
0x28: {  	s2 =	sld [smem:$0x3FB1]  }
0x29: {  	s4 =	sld [smem:$0x3FB3]  }
0x2a: {  	p0 =	seq.s32 s5, $0x0;
	s5 =	sld [smem:$0x3FB4]  }
0x2b: {  	s6 =	sld [smem:$0x3FB5]  }
0x2c: {  	s7 =	sld [smem:$0x3FB6]  }
0x2d: {  	s3 =	simm.s32 $0x108;
	s8 =	sld [smem:$0x3FB7]  }
0x2e: {  	s3 =	simm.s32 @!p0 $0x1082;
	s9 =	sld [smem:$0x3FB8]  }
0x2f: {  	lr =	sadd.s32 s0, s3;
	s0 =	sld [smem:$0x3FAF]  }
0x30: {  	s3 =	sld [smem:$0x3FB2]  }
0x31: {  	[smem:$0x3FBB] =	sst s10  }
0x32: {  	s10 =	sld [smem:$0x3FB9];
	_ =	sdelay $0x3  }
0x33: {  	p0 =	seq.s32 s10, $0x1;
	s10 =	sld [smem:$0x3FBB];
	_ =	sdelay $0x3  }
0x34: {  	[smem:$0x3FBB] =	sst s10  }
0x35: {  	s10 =	sld [smem:$0x3FBA];
	_ =	sdelay $0x3  }
0x36: {  	p1 =	seq.s32 s10, $0x1;
	s10 =	sld [smem:$0x3FBB];
	_ =	sdelay $0x3  }
0x37: {  	[smem:$0x3FBB] =	sst s10  }
0x38: {  	s10 =	sld [smem:$0x3FBC]  }
0x39: {  	_ = 	snop;
	(pc) =	sbr.ind lr, $3  }
0x3a: {  	_ = 	snop  }
0x3b: {  	_ = 	snop  }
0x3c: {  	p2 =	seq.s32 s10, $0x1;
	s10 =	sld [smem:$0x3FBB]  }
0x3d: {  	_ =	shalt  }
0x3e: {  	_ =	shalt  }
0x3f: {  	_ =	shalt  }
0x40: {  	_ =	shalt  }
0x41: {  	_ =	shalt  }
0x42: {  	_ =	shalt  }
0x43: {  	_ =	shalt  }
0x44: {  	_ =	shalt  }
0x45: {  	_ =	shalt  }
0x46: {  	_ =	shalt  }
0x47: {  	_ =	shalt  }
0x48: {  	_ =	shalt  }
0x49: {  	_ =	shalt  }
0x4a: {  	_ =	shalt  }
0x4b: {  	_ =	shalt  }
0x4c: {  	_ =	shalt  }
0x4d: {  	_ =	shalt  }
0x4e: {  	_ =	shalt  }
0x4f: {  	_ =	shalt  }
0x50: {  	_ =	shalt  }
0x51: {  	_ =	shalt  }
0x52: {  	_ =	shalt  }
0x53: {  	_ =	shalt  }
0x54: {  	_ =	shalt  }
0x55: {  	_ =	shalt  }
0x56: {  	_ =	shalt  }
0x57: {  	_ =	shalt  }
0x58: {  	_ =	shalt  }
0x59: {  	_ =	shalt  }
0x5a: {  	_ =	shalt  }
0x5b: {  	_ =	shalt  }
0x5c: {  	_ =	shalt  }
0x5d: {  	_ =	shalt  }
0x5e: {  	_ =	shalt  }
0x5f: {  	_ =	shalt  }
0x60: {  	_ =	shalt  }
0x61: {  	_ =	shalt  }
0x62: {  	_ =	shalt  }
0x63: {  	_ =	shalt  }
0x64: {  	_ =	shalt  }
0x65: {  	_ =	shalt  }
0x66: {  	_ =	shalt  }
0x67: {  	_ =	shalt  }
0x68: {  	_ =	shalt  }
0x69: {  	_ =	shalt  }
0x6a: {  	_ =	shalt  }
0x6b: {  	_ =	shalt  }
0x6c: {  	_ =	shalt  }
0x6d: {  	_ =	shalt  }
0x6e: {  	_ =	shalt  }
0x6f: {  	_ =	shalt  }
0x70: {  	_ =	shalt  }
0x71: {  	_ =	shalt  }
0x72: {  	_ =	shalt  }
0x73: {  	_ =	shalt  }
0x74: {  	_ =	shalt  }
0x75: {  	_ =	shalt  }
0x76: {  	_ =	shalt  }
0x77: {  	_ =	shalt  }
0x78: {  	_ =	shalt  }
0x79: {  	_ =	shalt  }
0x7a: {  	_ =	shalt  }
0x7b: {  	_ =	shalt  }
0x7c: {  	_ =	shalt  }
0x7d: {  	_ =	shalt  }
0x7e: {  	_ =	shalt  }
0x7f: {  	_ =	shalt  }
0x80: {  	_ =	shalt  }
0x81: {  	_ =	shalt  }
0x82: {  	_ =	shalt  }
0x83: {  	_ =	shalt  }
0x84: {  	_ =	shalt  }
0x85: {  	_ =	shalt  }
0x86: {  	_ =	shalt  }
0x87: {  	_ =	shalt  }
.Lfunc_end0:
.L_simem_size_0:
called_computation_lowered:
.L_overlay_start_0:
0x88: {  	s2 =	sld [smem:$0x3FD9]  }
0x89: {  	s3 =	sld [smem:$0x3FFE];
	_ =	sdelay $0x1  }
0x8a: {  	s1 =	srdreg.scid  }
0x8b: {  	s0 =	sand.u32 $0x1, s1  }
0x8c: {  	s18 =	sshll.u32 s0, $0xA;
	s2 =	sadd.s32 s3, s2  }
0x8d: {  	s2 =	sadd.s32 s2, s18  }
0x8e: {  	[smem:$0x3FC7] =	sst s2  }
0x8f: {  	_ = 	snop  }
0x90: {  	s2 =	sld [smem:$0x3FC9]  }
0x91: {  	s19 =	sld [smem:$0x3FD0];
	(tm) =	ssettm $0x1  }
0x92: {  	s4 =	sld [smem:$0x3FFB];
	_ =	sdelay $0x3  }
0x93: {  	_ =	strace s4  }
0x94: {  	s4 =	sld [smem:$0x3FFC];
	_ =	sdelay $0x3  }
0x95: {  	_ =	strace s4  }
0x96: {  	s4 =	sld [smem:$0x3FFD];
	_ =	sdelay $0x3  }
0x97: {  	_ =	strace s4  }
0x98: {  	_ =	strace $0x8FFFFFFF  }
0x99: {  	s20 =	sld [smem:$0x3FDB];
	_ =	sdelay $0x1  }
0x9a: {  	s5 =	simm.s32 $_scs_section_size  }
0x9b: {  	s6 =	simm.s32 $_size__tile_overlayer_lowered;
	s7 =	simm.s32 $_tile_overlayer_lowered  }
0x9c: {  	s23 =	simm.s32 $0x1BFF;
	s22 =	sshll.u32 s7, $0x1;
	s4 =	sadd.s32 s5, s20  }
0x9d: {  	s8 =	simm.s32 $0x0;
	s21 =	sshll.u32 s6, $0x1;
	s6 =	sadd.s32 s22, s4  }
0x9e: {  	[timem:s8], [sflag:s23] =	dma.local [hbm:s6], s21  }
0x9f: {  	_ =	swait.ge [sflag:s23], s21  }
0xa0: {  	s5 =	ssub.s32 $0x0, s21;
	[sflag:s23] =	ssyncset.done $0x0  }
0xa1: {  	[sflag:s23] =	ssyncadd.s32 s5;
	_ =	sdelay $0x1  }
0xa2: {  	s24 =	simm.s32 $0x1B8B  }
0xa3: {  	_ =	swait.ge [sflag:s24], $0x1  }
0xa4: {  	[sflag:s24] =	ssyncset.done $0x0  }
0xa5: {  	s25 =	simm.s32 $0x1B8E;
	[sflag:s24] =	ssyncadd.s32 $0xFFFFFFFF  }
0xa6: {  	s26 =	simm.s32 $execute0_lowered;
	[smem:$0x3FD2] =	sst s25  }
0xa7: {  	s5 =	sshll.u32 s26, $0x1;
	_ =	strace $0x80000046;
	[dreg:$0x1] =	wrdreg $0xFFFFFFFF  }
0xa8: {  	s28 =	simm.s32 $_size_execute0_lowered;
	s4 =	sadd.s32 s4, s5;
	[dreg:$0x0] =	wrdreg $0x0  }
0xa9: {  	s5 =	sshll.u32 s28, $0x1;
	[dreg:$0x2] =	wrdreg s4  }
0xaa: {  	[dreg:$0x3] =	wrdreg s5  }
0xab: {  	[dreg:$0x4] =	wrdreg $0xC0  }
0xac: {  	_ =	task [dreg:s8], $0x5FFFF  }
0xad: {  	[dreg:$0x1] =	wrdreg $0xFFFFFFFF  }
0xae: {  	[dreg:$0x0] =	wrdreg $0x60  }
0xaf: {  	[dreg:$0x2] =	wrdreg s2  }
0xb0: {  	[dreg:$0x3] =	wrdreg s19  }
0xb1: {  	[dreg:$0x4] =	wrdreg $0x9  }
0xb2: {  	_ =	task.clear_ibuf [dreg:s8], $0x5FFFF;
	_ =	strace $0x90000046  }
0xb3: {  	s29 =	simm.s32 $0x9;
	_ =	strace $0x80000048  }
0xb4: {  	_ =	swait.ge [sflag:s29], $0x1  }
0xb5: {  	[sflag:s29] =	ssyncadd.s32 $0xFFFFFFFF  }
0xb6: {  	_ =	strace $0x90000048  }
0xb7: {  	_ =	sfence  }
0xb8: {  	s30 =	sld [smem:$0x0];
	_ =	sdelay $0x2  }
0xb9: {  	s31 =	sshll.u32 s1, $0xD;
	s1 =	sshrl.u32 s1, $0x2  }
0xba: {  	s3 =	sand.u32 $0x4000, s31;
	s1 =	sadd.s32 s1, s30  }
0xbb: {  	s0 =	sor.u32 s3, s0;
	s1 =	sshll.u32 s1, $0x11  }
0xbc: {  	s0 =	sor.u32 s1, s0  }
0xbd: {  	s0 =	sadd.s32 $0x8F2B, s0  }
0xbe: {  	[sflag:s0] =	ssyncadd.remote.s32 $0x1  }
0xbf: {  	_ =	sfence.sel $0xFFFF  }
0xc0: {  	[dreg:$0x0] =	wrdreg $0xFFFFFFFF;
	(pc) =	sbr.abs _section_cstart, $3  }
0xc1: {  	[dreg:$0x1] =	wrdreg $0xFFFFFFFF  }
0xc2: {  	_ =	task.clear_ibuf [dreg:s8], $0x2FFFF;
	_ =	strace $0x9FFFFFFF  }
0xc3: {  	(tm) =	ssettm $0x7FFFFFFF  }
tec
execute0_lowered:
.L_overlay_start_1:
0x0: {  	(tag) =	ssettag $0x1  }
0x1: {  	s8 =	rddreg [dreg:$0x0]  }
0x2: {  	s10 =	rddreg [dreg:$0x1];
	s2 =	srdreg.scid  }
0x3: {  	s0 =	rddreg [dreg:$0x2];
	s1 =	stileid.u32  }
0x4: {  	s15 =	simm.s32 $0x2;
	s16 =	simm.s32 $0x14000;
	s17 =	simm.s32 $0x3  }
0x5: {  	s18 =	simm.s32 $0x4;
	s19 =	simm.s32 $0x0;
	s3 =	sand.u32 $0x1, s2  }
0x6: {  	s2 =	simm.s32 $0x0;
	s4 =	sshll.u32 s1, $0xA;
	s5 =	sshll.u32 s3, $0x9  }
0x7: {  	[smem:$0x7FF] =	sst s2;
	s3 =	ssub.s32 $0x2, s3;
	s5 =	sor.u32 s5, s4  }
0x8: {  	_ =	strace $0x80000047;
	s29 =	sshrl.u32 s3, $0x1;
	s9 =	sshrl.u32 s5, $0x3  }
0x9: {  	s6 =	sshll.u32 s5, $0x5;
	s11 =	ssub.s32 s3, s29;
	s5 =	sshll.u32 s5, $0x4  }
0xa: {  	s7 =	sor.u32 $0x10, s9;
	s3 =	sadd.s32 s8, s6;
	s12 =	sor.u32 $0x20, s9  }
0xb: {  	v0 =	vlaneseq.u32;
	s5 =	sadd.s32 s10, s5;
	s9 =	sor.u32 $0x30, s9;
	s11 =	smax.u32 s11, $0x1  }
0xc: {  	v0 =	vmul.u32 $0x2, v0;
	s30 =	sshll.u32 s7, $0x8;
	s31 =	sshll.u32 s12, $0x8;
	s7 =	sshll.u32 s7, $0x7  }
0xd: {  	s13 =	sshll.u32 s9, $0x8;
	s12 =	sshll.u32 s12, $0x7;
	s14 =	sshll.u32 s9, $0x7  }
0xe: {  	v1 =	vor.u32 $0x20, v0;
	s4 =	sadd.s32 s8, s30;
	s6 =	sadd.s32 s8, s31;
	s7 =	sadd.s32 s10, s7  }
0xf: {  	v2 =	vor.u32 $0x40, v0;
	v3 =	vor.u32 $0x60, v0;
	v4 =	vor.u32 $0x400, v0;
	s8 =	sadd.s32 s8, s13;
	s9 =	sadd.s32 s10, s12;
	s10 =	sadd.s32 s10, s14  }
0x10: {  	v5 =	vor.u32 $0x420, v0;
	v6 =	vor.u32 $0x440, v0;
	v7 =	vor.u32 $0x460, v0;
	s12 =	simm.s32 $0x8000;
	s13 =	simm.s32 $0x1;
	s14 =	simm.s32 $0x10000  }
.LBB2_1:
0x11: {  	s20 =	simm.s32 $0x1  }
0x12: {  	v8 =	vmov s20  }
0x13: {  	v9 =	vshll.u32 v8, $0x8;
	v8 =	vshll.u32 v8, $0x7  }
0x14: {  	v9 =	vand.u32 $0x7800, v9;
	v8 =	vand.u32 $0x380, v8  }
0x15: {  	[tilespmem:s2], [sflag:$0x1] =	stream.linear.gather [hbm4b:s3+s2], $0x8000, $0x38;
	v15 =	vor.u32 v8, v9;
	[tilespmem:$0x18000] =	vst v63  }
0x16: {  	v8 =	vor.u32 v0, v15  }
0x17: {  	[tilespmem:s12], [sflag:$0x2] =	stream.linear.gather [hbm4b:s4+s2], $0x8000, $0x38;
	[tilespmem:$0x18000] =	vst v63  }
0x18: {  	_ =	swait.ge [sflag:s13], $0x8000  }
0x19: {  	[sflag:s13] =	ssyncset.done $0x0;
	v9 =	vmov s2  }
0x1a: {  	[sflag:s13] =	ssyncadd.s32 $0xFFFF8000;
	v10 =	vshll.u32 v9, $0x8;
	v9 =	vshll.u32 v9, $0x7  }
0x1b: {  	v10 =	vand.u32 $0x7800, v10;
	v9 =	vand.u32 $0x300, v9;
	v8 =	vld.idx.msk [tilespmem:v8+s2+$0x0], $0xffff  }
0x1c: {  	v12 =	vor.u32 v9, v10;
	v9 =	vor.u32 v1, v15  }
0x1d: {  	v10 =	vor.u32 v0, v12;
	_ =	sdelay $0x1  }
0x1e: {  	s21 =	simm.s32 $0x10080;
	s26 =	simm.s32 $0x3  }
0x1f: {  	[tilespmem:s21+$0x0] =	vst v8;
	v8 =	vmov s26  }
0x20: {  	v9 =	vld.idx.msk [tilespmem:v9+s2+$0x0], $0xffff;
	v11 =	vshll.u32 v8, $0x8;
	v8 =	vshll.u32 v8, $0x7  }
0x21: {  	s28 =	simm.s32 $0x2;
	v14 =	vor.u32 v2, v15;
	v10 =	vld.idx.msk [tilespmem:v10+s2+$0x0], $0xffff;
	v11 =	vand.u32 $0x7800, v11;
	v8 =	vand.u32 $0x380, v8  }
0x22: {  	v16 =	vmov s28;
	v17 =	vor.u32 v1, v12;
	v13 =	vor.u32 v8, v11  }
0x23: {  	v8 =	vshll.u32 v16, $0x8;
	v11 =	vshll.u32 v16, $0x7;
	v16 =	vor.u32 v0, v13  }
0x24: {  	v8 =	vand.u32 $0x7800, v8;
	v11 =	vand.u32 $0x300, v11  }
0x25: {  	v8 =	vor.u32 v11, v8;
	[tilespmem:s21+$0x10] =	vst v9  }
0x26: {  	[tilespmem:s21+$0xFFFFFF80] =	vst v10;
	v9 =	vor.u32 v0, v8;
	v10 =	vld.idx.msk [tilespmem:v14+s2+$0x0], $0xffff  }
0x27: {  	v11 =	vld.idx.msk [tilespmem:v17+s2+$0x0], $0xffff;
	v14 =	vor.u32 v3, v15  }
0x28: {  	v17 =	vor.u32 v2, v12;
	v16 =	vld.idx.msk [tilespmem:v16+s2+$0x0], $0xffff  }
0x29: {  	v18 =	vor.u32 v1, v13  }
0x2a: {  	s29 =	simm.s32 $0x4  }
0x2b: {  	s22 =	simm.s32 $0x5;
	v19 =	vmov s29;
	v22 =	vor.u32 v3, v12;
	v23 =	vor.u32 v2, v13;
	v20 =	vld.idx.msk [tilespmem:v9+s2+$0x0], $0xffff;
	[tilespmem:s21+$0x20] =	vst v10  }
0x2c: {  	s20 =	simm.s32 $0x10180;
	[tilespmem:s21+$0xFFFFFF90] =	vst v11;
	v11 =	vor.u32 v1, v8;
	v9 =	vshll.u32 v19, $0x8;
	v10 =	vmov s22;
	v14 =	vld.idx.msk [tilespmem:v14+s2+$0x0], $0xffff  }
0x2d: {  	v17 =	vld.idx.msk [tilespmem:v17+s2+$0x0], $0xffff;
	v21 =	vshll.u32 v10, $0x8;
	v10 =	vshll.u32 v10, $0x7;
	[tilespmem:s20+$0x0] =	vst v16;
	v16 =	vor.u32 v4, v15  }
0x2e: {  	v19 =	vshll.u32 v19, $0x7;
	v21 =	vand.u32 $0x7800, v21;
	v10 =	vand.u32 $0x380, v10;
	v18 =	vld.idx.msk [tilespmem:v18+s2+$0x0], $0xffff  }
0x2f: {  	v9 =	vand.u32 $0x7800, v9;
	v19 =	vand.u32 $0x300, v19;
	v10 =	vor.u32 v10, v21  }
0x30: {  	v9 =	vor.u32 v19, v9;
	[tilespmem:s20+$0xFFFFFF80] =	vst v20;
	v19 =	vor.u32 v0, v10  }
0x31: {  	v20 =	vor.u32 v0, v9;
	v11 =	vld.idx.msk [tilespmem:v11+s2+$0x0], $0xffff;
	[tilespmem:s21+$0x30] =	vst v14  }
0x32: {  	s30 =	simm.s32 $0x6;
	[tilespmem:s21+$0xFFFFFFA0] =	vst v17;
	v14 =	vld.idx.msk [tilespmem:v16+s2+$0x0], $0xffff;
	v16 =	vor.u32 v2, v8  }
0x33: {  	v21 =	vmov s30;
	v17 =	vld.idx.msk [tilespmem:v22+s2+$0x0], $0xffff;
	[tilespmem:s20+$0x10] =	vst v18;
	v18 =	vor.u32 v5, v15  }
0x34: {  	v24 =	vshll.u32 v21, $0x8;
	v21 =	vshll.u32 v21, $0x7;
	v22 =	vld.idx.msk [tilespmem:v23+s2+$0x0], $0xffff;
	v23 =	vor.u32 v4, v12  }
0x35: {  	v25 =	vor.u32 v3, v13;
	v24 =	vand.u32 $0x7800, v24;
	v21 =	vand.u32 $0x300, v21;
	v19 =	vld.idx.msk [tilespmem:v19+s2+$0x0], $0xffff  }
0x36: {  	v20 =	vld.idx.msk [tilespmem:v20+s2+$0x0], $0xffff;
	[tilespmem:s20+$0xFFFFFF90] =	vst v11;
	v11 =	vor.u32 v21, v24;
	v21 =	vor.u32 v1, v10  }
0x37: {  	v24 =	vld.idx.msk [tilespmem:v16+s2+$0x0], $0xffff;
	[tilespmem:s21+$0x40] =	vst v14;
	v14 =	vor.u32 v0, v11  }
0x38: {  	[tilespmem:s21+$0xFFFFFFB0] =	vst v17;
	v17 =	vld.idx.msk [tilespmem:v18+s2+$0x0], $0xffff;
	v18 =	vor.u32 v1, v9  }
0x39: {  	s23 =	simm.s32 $0x7;
	s22 =	simm.s32 $0x10280;
	[tilespmem:s20+$0x20] =	vst v22;
	v22 =	vld.idx.msk [tilespmem:v23+s2+$0x0], $0xffff;
	v23 =	vor.u32 v6, v15  }
0x3a: {  	v16 =	vmov s23;
	[tilespmem:s22+$0x0] =	vst v19;
	v19 =	vor.u32 v3, v8;
	v25 =	vld.idx.msk [tilespmem:v25+s2+$0x0], $0xffff  }
0x3b: {  	v26 =	vor.u32 v4, v13;
	v27 =	vshll.u32 v16, $0x8;
	v28 =	vshll.u32 v16, $0x7;
	v21 =	vld.idx.msk [tilespmem:v21+s2+$0x0], $0xffff  }
0x3c: {  	[tilespmem:s22+$0xFFFFFF80] =	vst v20;
	v20 =	vor.u32 v5, v12;
	v16 =	vld.idx.msk [tilespmem:v14+s2+$0x0], $0xffff;
	v14 =	vand.u32 $0x7800, v27;
	v27 =	vand.u32 $0x380, v28  }
0x3d: {  	v28 =	vor.u32 v2, v10;
	v18 =	vld.idx.msk [tilespmem:v18+s2+$0x0], $0xffff;
	[tilespmem:s21+$0x50] =	vst v17;
	v14 =	vor.u32 v27, v14  }
0x3e: {  	[tilespmem:s20+$0xFFFFFFA0] =	vst v24;
	v17 =	vld.idx.msk [tilespmem:v23+s2+$0x0], $0xffff;
	v23 =	vor.u32 v0, v14  }
0x3f: {  	v15 =	vor.u32 v7, v15;
	v19 =	vld.idx.msk [tilespmem:v19+s2+$0x0], $0xffff;
	[tilespmem:s20+$0x30] =	vst v25  }
0x40: {  	[tilespmem:s21+$0xFFFFFFC0] =	vst v22;
	v24 =	vld.idx.msk [tilespmem:v26+s2+$0x0], $0xffff  }
0x41: {  	v22 =	vor.u32 v2, v9;
	[tilespmem:s22+$0x10] =	vst v21;
	v26 =	vld.idx.msk [tilespmem:v20+s2+$0x0], $0xffff  }
0x42: {  	s31 =	simm.s32 $0x8;
	v21 =	vor.u32 v5, v13;
	v25 =	vld.idx.msk [tilespmem:v28+s2+$0x0], $0xffff  }
0x43: {  	v28 =	vor.u32 v4, v8;
	v29 =	vld.idx.msk [tilespmem:v23+s2+$0x0], $0xffff;
	[tilespmem:s21+$0x60] =	vst v17;
	v17 =	vmov s31  }
0x44: {  	[tilespmem:s22+$0xFFFFFF90] =	vst v18;
	v23 =	vor.u32 v3, v10;
	v20 =	vld.idx.msk [tilespmem:v15+s2+$0x0], $0xffff;
	v15 =	vshll.u32 v17, $0x8;
	v17 =	vshll.u32 v17, $0x7  }
0x45: {  	v30 =	vor.u32 v6, v12;
	[tilespmem:s20+$0xFFFFFFB0] =	vst v19;
	v15 =	vand.u32 $0x7800, v15;
	v17 =	vand.u32 $0x300, v17  }
0x46: {  	v27 =	vor.u32 v1, v14;
	v18 =	vld.idx.msk [tilespmem:v22+s2+$0x0], $0xffff;
	[tilespmem:s20+$0x40] =	vst v24;
	v15 =	vor.u32 v17, v15  }
0x47: {  	v21 =	vld.idx.msk [tilespmem:v21+s2+$0x0], $0xffff;
	[tilespmem:s22+$0x20] =	vst v25;
	v25 =	vor.u32 v0, v15  }
0x48: {  	v24 =	vor.u32 v1, v11;
	v17 =	vld.idx.msk [tilespmem:v28+s2+$0x0], $0xffff  }
0x49: {  	s23 =	simm.s32 $0x10380;
	[tilespmem:s21+$0xFFFFFFD0] =	vst v26;
	v22 =	vld.idx.msk [tilespmem:v23+s2+$0x0], $0xffff;
	v23 =	vor.u32 v6, v13  }
0x4a: {  	s24 =	simm.s32 $0xA;
	s26 =	simm.s32 $0x9;
	v26 =	vor.u32 v3, v9;
	v19 =	vld.idx.msk [tilespmem:v30+s2+$0x0], $0xffff;
	[tilespmem:s23+$0x0] =	vst v29  }
.LBB2_2:
0x4b: {  	p0 =	slt.u32 s24, $0x7E;
	v28 =	vmov s26;
	v27 =	vld.idx.msk [tilespmem:v27+s2+$0x0], $0xffff;
	v29 =	vor.u32 v4, v10;
	[tilespmem:s21+$0x70] =	vst v20;
	s25 =	smov.u32 s23  }
0x4c: {  	v20 =	vshll.u32 v28, $0x8;
	v28 =	vshll.u32 v28, $0x7;
	[tilespmem:s23+$0xFFFFFF80] =	vst v16;
	v16 =	vld.idx.msk [tilespmem:v25+s2+$0x0], $0xffff;
	v25 =	vor.u32 v5, v8  }
0x4d: {  	v30 =	vor.u32 v2, v14;
	v20 =	vand.u32 $0x7800, v20;
	v28 =	vand.u32 $0x380, v28;
	v24 =	vld.idx.msk [tilespmem:v24+s2+$0x0], $0xffff;
	[tilespmem:s20+$0x50] =	vst v21  }
0x4e: {  	v21 =	vor.u32 v7, v12;
	v12 =	vmov v8;
	v20 =	vor.u32 v28, v20;
	[tilespmem:s22+$0xFFFFFFA0] =	vst v18;
	v18 =	vld.idx.msk [tilespmem:v23+s2+$0x0], $0xffff  }
0x4f: {  	v8 =	vmovc v9;
	v9 =	vmov v11;
	v11 =	vmov v15;
	v23 =	vor.u32 v0, v20;
	v26 =	vld.idx.msk [tilespmem:v26+s2+$0x0], $0xffff;
	[tilespmem:s22+$0x30] =	vst v22  }
0x50: {  	v15 =	vor.u32 v7, v13;
	v13 =	vmovc v10;
	v10 =	vmov v14;
	v14 =	vmov v20;
	v22 =	vld.idx.msk [tilespmem:v29+s2+$0x0], $0xffff;
	[tilespmem:s20+$0xFFFFFFC0] =	vst v17  }
0x51: {  	v17 =	vor.u32 v2, v9;
	[tilespmem:s23+$0x10] =	vst v27;
	v28 =	vld.idx.msk [tilespmem:v25+s2+$0x0], $0xffff  }
0x52: {  	v29 =	vld.idx.msk [tilespmem:v30+s2+$0x0], $0xffff;
	v30 =	vor.u32 v5, v13;
	[tilespmem:s21+$0xFFFFFFE0] =	vst v19  }
0x53: {  	v31 =	vor.u32 v4, v8;
	v19 =	vmov s24;
	[tilespmem:s23+$0xFFFFFF90] =	vst v24;
	v32 =	vld.idx.msk [tilespmem:v21+s2+$0x0], $0xffff  }
0x54: {  	v20 =	vshll.u32 v19, $0x8;
	v19 =	vshll.u32 v19, $0x7;
	v33 =	vld.idx.msk [tilespmem:v23+s2+$0x0], $0xffff;
	v23 =	vor.u32 v3, v10;
	[tilespmem:s20+$0x60] =	vst v18  }
0x55: {  	v34 =	vor.u32 v6, v12;
	v18 =	vand.u32 $0x7800, v20;
	v19 =	vand.u32 $0x300, v19;
	[tilespmem:s22+$0xFFFFFFB0] =	vst v26;
	v20 =	vld.idx.msk [tilespmem:v15+s2+$0x0], $0xffff  }
.Ltmp0:
0x56: {  	v27 =	vor.u32 v1, v14;
	v15 =	vor.u32 v19, v18;
	v18 =	vld.idx.msk [tilespmem:v17+s2+$0x0], $0xffff;
	[tilespmem:s22+$0x40] =	vst v22;
	(pc) =	sbr.rel @p0 .LBB2_2-.Ltmp0, $4  }
0x57: {  	v25 =	vor.u32 v0, v15;
	v21 =	vld.idx.msk [tilespmem:v30+s2+$0x0], $0xffff;
	[tilespmem:s20+$0xFFFFFFD0] =	vst v28  }
0x58: {  	v24 =	vor.u32 v1, v11;
	[tilespmem:s23+$0x20] =	vst v29;
	v17 =	vld.idx.msk [tilespmem:v31+s2+$0x0], $0xffff  }
0x59: {  	s23 =	sadd.s32 $0x100, s23;
	v22 =	vld.idx.msk [tilespmem:v23+s2+$0x0], $0xffff;
	v23 =	vor.u32 v6, v13;
	[tilespmem:s21+$0xFFFFFFF0] =	vst v32;
	s21 =	smov.u32 s20;
	s20 =	smov.u32 s22  }
0x5a: {  	s26 =	sadd.s32 $0x1, s24;
	s24 =	sadd.s32 $0x2, s24;
	v26 =	vor.u32 v3, v9;
	s22 =	smov.u32 s25;
	[tilespmem:s23+$0x0] =	vst v33;
	v19 =	vld.idx.msk [tilespmem:v34+s2+$0x0], $0xffff  }
0x5b: {  	v28 =	vmov s26  }
0x5c: {  	v29 =	vshll.u32 v28, $0x8;
	v28 =	vshll.u32 v28, $0x7  }
0x5d: {  	v29 =	vand.u32 $0x7800, v29;
	v28 =	vand.u32 $0x380, v28  }
0x5e: {  	v28 =	vor.u32 v28, v29  }
0x5f: {  	v29 =	vor.u32 v0, v28;
	_ =	sdelay $0x1  }
0x60: {  	[tilespmem:s21+$0x70] =	vst v20  }
0x61: {  	[tilespmem:s23+$0xFFFFFF80] =	vst v16  }
0x62: {  	v20 =	vld.idx.msk [tilespmem:v27+s2+$0x0], $0xffff;
	v16 =	vor.u32 v4, v10;
	[tilespmem:s22+$0xFFFFFFA0] =	vst v18  }
0x63: {  	v12 =	vor.u32 v7, v12;
	[tilespmem:s20+$0x50] =	vst v21;
	v18 =	vld.idx.msk [tilespmem:v29+s2+$0x0], $0xffff  }
0x64: {  	v21 =	vld.idx.msk [tilespmem:v25+s2+$0x0], $0xffff;
	[tilespmem:s22+$0x30] =	vst v22;
	v22 =	vor.u32 v1, v28  }
0x65: {  	v24 =	vld.idx.msk [tilespmem:v24+s2+$0x0], $0xffff;
	[tilespmem:s20+$0xFFFFFFC0] =	vst v17;
	v17 =	vor.u32 v1, v15  }
0x66: {  	v25 =	vor.u32 v5, v8;
	v23 =	vld.idx.msk [tilespmem:v23+s2+$0x0], $0xffff;
	[tilespmem:s21+$0xFFFFFFE0] =	vst v19  }
0x67: {  	s24 =	sadd.s32 $0x100, s23;
	[tilespmem:s23+$0x10] =	vst v20;
	v20 =	vor.u32 v2, v14;
	v16 =	vld.idx.msk [tilespmem:v16+s2+$0x0], $0xffff  }
0x68: {  	v12 =	vld.idx.msk [tilespmem:v12+s2+$0x0], $0xffff;
	[tilespmem:s24+$0x0] =	vst v18  }
0x69: {  	[tilespmem:s24+$0xFFFFFF80] =	vst v21;
	v18 =	vor.u32 v2, v11;
	v19 =	vld.idx.msk [tilespmem:v22+s2+$0x0], $0xffff  }
0x6a: {  	[tilespmem:s23+$0xFFFFFF90] =	vst v24;
	v21 =	vor.u32 v2, v28;
	v17 =	vld.idx.msk [tilespmem:v17+s2+$0x0], $0xffff  }
0x6b: {  	[tilespmem:s20+$0x60] =	vst v23;
	v23 =	vor.u32 v2, v15;
	v22 =	vld.idx.msk [tilespmem:v25+s2+$0x0], $0xffff  }
0x6c: {  	v13 =	vor.u32 v7, v13;
	v20 =	vld.idx.msk [tilespmem:v20+s2+$0x0], $0xffff;
	[tilespmem:s22+$0x40] =	vst v16  }
0x6d: {  	v26 =	vld.idx.msk [tilespmem:v26+s2+$0x0], $0xffff;
	v16 =	vor.u32 v3, v14;
	[tilespmem:s21+$0xFFFFFFF0] =	vst v12  }
0x6e: {  	v12 =	vor.u32 v6, v8;
	v18 =	vld.idx.msk [tilespmem:v18+s2+$0x0], $0xffff;
	[tilespmem:s24+$0x10] =	vst v19  }
0x6f: {  	[tilespmem:s24+$0xFFFFFF90] =	vst v17;
	v19 =	vor.u32 v3, v11;
	v21 =	vld.idx.msk [tilespmem:v21+s2+$0x0], $0xffff  }
0x70: {  	v17 =	vor.u32 v3, v28;
	[tilespmem:s20+$0xFFFFFFD0] =	vst v22;
	v22 =	vld.idx.msk [tilespmem:v23+s2+$0x0], $0xffff  }
0x71: {  	v13 =	vld.idx.msk [tilespmem:v13+s2+$0x0], $0xffff;
	[tilespmem:s23+$0x20] =	vst v20;
	v20 =	vor.u32 v3, v15  }
0x72: {  	[tilespmem:s22+$0xFFFFFFB0] =	vst v26;
	v16 =	vld.idx.msk [tilespmem:v16+s2+$0x0], $0xffff;
	v23 =	vor.u32 v4, v9  }
0x73: {  	v24 =	vor.u32 v5, v10;
	v12 =	vld.idx.msk [tilespmem:v12+s2+$0x0], $0xffff;
	[tilespmem:s23+$0xFFFFFFA0] =	vst v18  }
0x74: {  	v18 =	vor.u32 v4, v14;
	v19 =	vld.idx.msk [tilespmem:v19+s2+$0x0], $0xffff;
	[tilespmem:s24+$0x20] =	vst v21  }
0x75: {  	[tilespmem:s24+$0xFFFFFFA0] =	vst v22;
	v21 =	vor.u32 v4, v11;
	v17 =	vld.idx.msk [tilespmem:v17+s2+$0x0], $0xffff  }
0x76: {  	[tilespmem:s20+$0x70] =	vst v13;
	v13 =	vor.u32 v4, v28;
	v20 =	vld.idx.msk [tilespmem:v20+s2+$0x0], $0xffff  }
0x77: {  	[tilespmem:s23+$0x30] =	vst v16;
	v22 =	vld.idx.msk [tilespmem:v23+s2+$0x0], $0xffff;
	v23 =	vor.u32 v4, v15  }
0x78: {  	v8 =	vor.u32 v7, v8;
	v24 =	vld.idx.msk [tilespmem:v24+s2+$0x0], $0xffff;
	[tilespmem:s20+$0xFFFFFFE0] =	vst v12  }
0x79: {  	v16 =	vor.u32 v5, v9;
	v18 =	vld.idx.msk [tilespmem:v18+s2+$0x0], $0xffff;
	[tilespmem:s23+$0xFFFFFFB0] =	vst v19  }
0x7a: {  	v19 =	vor.u32 v5, v14;
	v21 =	vld.idx.msk [tilespmem:v21+s2+$0x0], $0xffff;
	[tilespmem:s24+$0x30] =	vst v17  }
0x7b: {  	[tilespmem:s24+$0xFFFFFFB0] =	vst v20;
	v17 =	vor.u32 v5, v11;
	v13 =	vld.idx.msk [tilespmem:v13+s2+$0x0], $0xffff  }
0x7c: {  	[tilespmem:s22+$0xFFFFFFC0] =	vst v22;
	v20 =	vor.u32 v5, v28;
	v22 =	vld.idx.msk [tilespmem:v23+s2+$0x0], $0xffff  }
0x7d: {  	[tilespmem:s22+$0x50] =	vst v24;
	v12 =	vor.u32 v5, v15;
	v8 =	vld.idx.msk [tilespmem:v8+s2+$0x0], $0xffff  }
0x7e: {  	v24 =	vor.u32 v6, v10;
	v16 =	vld.idx.msk [tilespmem:v16+s2+$0x0], $0xffff;
	[tilespmem:s23+$0x40] =	vst v18  }
0x7f: {  	v18 =	vor.u32 v6, v9;
	v19 =	vld.idx.msk [tilespmem:v19+s2+$0x0], $0xffff;
	[tilespmem:s23+$0xFFFFFFC0] =	vst v21  }
0x80: {  	v21 =	vor.u32 v6, v14;
	v17 =	vld.idx.msk [tilespmem:v17+s2+$0x0], $0xffff;
	[tilespmem:s24+$0x40] =	vst v13  }
0x81: {  	[tilespmem:s24+$0xFFFFFFC0] =	vst v22;
	v13 =	vor.u32 v6, v11;
	v20 =	vld.idx.msk [tilespmem:v20+s2+$0x0], $0xffff  }
0x82: {  	[tilespmem:s20+$0xFFFFFFF0] =	vst v8;
	v22 =	vor.u32 v6, v28;
	v12 =	vld.idx.msk [tilespmem:v12+s2+$0x0], $0xffff  }
0x83: {  	v23 =	vld.idx.msk [tilespmem:v24+s2+$0x0], $0xffff;
	[tilespmem:s22+$0xFFFFFFD0] =	vst v16;
	v16 =	vor.u32 v6, v15  }
0x84: {  	v10 =	vor.u32 v7, v10;
	v18 =	vld.idx.msk [tilespmem:v18+s2+$0x0], $0xffff;
	[tilespmem:s23+$0x50] =	vst v19  }
0x85: {  	v9 =	vor.u32 v7, v9;
	v19 =	vld.idx.msk [tilespmem:v21+s2+$0x0], $0xffff;
	[tilespmem:s23+$0xFFFFFFD0] =	vst v17  }
0x86: {  	v14 =	vor.u32 v7, v14;
	v13 =	vld.idx.msk [tilespmem:v13+s2+$0x0], $0xffff;
	[tilespmem:s24+$0x50] =	vst v20  }
0x87: {  	v11 =	vor.u32 v7, v11;
	[tilespmem:s24+$0xFFFFFFD0] =	vst v12;
	v17 =	vld.idx.msk [tilespmem:v22+s2+$0x0], $0xffff  }
0x88: {  	v8 =	vor.u32 v7, v28;
	[tilespmem:s22+$0x60] =	vst v23;
	v12 =	vld.idx.msk [tilespmem:v16+s2+$0x0], $0xffff  }
0x89: {  	v15 =	vor.u32 v7, v15;
	v10 =	vld.idx.msk [tilespmem:v10+s2+$0x0], $0xffff;
	[tilespmem:s22+$0xFFFFFFE0] =	vst v18  }
0x8a: {  	v9 =	vld.idx.msk [tilespmem:v9+s2+$0x0], $0xffff;
	[tilespmem:s23+$0x60] =	vst v19  }
0x8b: {  	v14 =	vld.idx.msk [tilespmem:v14+s2+$0x0], $0xffff;
	[tilespmem:s23+$0xFFFFFFE0] =	vst v13  }
0x8c: {  	v11 =	vld.idx.msk [tilespmem:v11+s2+$0x0], $0xffff;
	[tilespmem:s24+$0x60] =	vst v17  }
0x8d: {  	[tilespmem:s24+$0xFFFFFFE0] =	vst v12;
	v8 =	vld.idx.msk [tilespmem:v8+s2+$0x0], $0xffff  }
0x8e: {  	[tilespmem:s22+$0x70] =	vst v10;
	v10 =	vld.idx.msk [tilespmem:v15+s2+$0x0], $0xffff  }
0x8f: {  	[tilespmem:s22+$0xFFFFFFF0] =	vst v9  }
0x90: {  	s22 =	simm.s32 $0x1;
	[tilespmem:s23+$0x70] =	vst v14  }
0x91: {  	v9 =	vmov s22;
	[tilespmem:s23+$0xFFFFFFF0] =	vst v11  }
0x92: {  	[tilespmem:s24+$0x70] =	vst v8;
	v8 =	vshll.u32 v9, $0x8;
	v9 =	vshll.u32 v9, $0x7  }
0x93: {  	s23 =	simm.s32 $0x0;
	[tilespmem:s24+$0xFFFFFFF0] =	vst v10;
	v8 =	vand.u32 $0x7800, v8;
	v9 =	vand.u32 $0x380, v9  }
0x94: {  	[hbm4b:s5+s23] =	stream.linear.scatter [tilespmem:s14], [sflag:$0x3], $0x4000, $0x38;
	v15 =	vor.u32 v9, v8;
	[tilespmem:$0x18000] =	vst v63  }
0x95: {  	v8 =	vor.u32 v0, v15  }
0x96: {  	[tilespmem:s23], [sflag:$0x1] =	stream.linear.gather [hbm4b:s6+s23], $0x8000, $0x38;
	[tilespmem:$0x18000] =	vst v63  }
0x97: {  	_ =	swait.ge [sflag:s15], $0x8000  }
0x98: {  	v9 =	vmov s23;
	[sflag:s15] =	ssyncset.done $0x0  }
0x99: {  	v10 =	vshll.u32 v9, $0x8;
	v9 =	vshll.u32 v9, $0x7;
	[sflag:s15] =	ssyncadd.s32 $0xFFFF8000  }
0x9a: {  	v10 =	vand.u32 $0x7800, v10;
	v9 =	vand.u32 $0x300, v9;
	v8 =	vld.idx.msk [tilespmem:v8+s12+$0x0], $0xffff  }
0x9b: {  	v12 =	vor.u32 v9, v10;
	v9 =	vor.u32 v1, v15  }
0x9c: {  	v10 =	vor.u32 v0, v12;
	_ =	sdelay $0x1  }
0x9d: {  	s21 =	simm.s32 $0x140F0;
	s24 =	simm.s32 $0x3  }
0x9e: {  	[tilespmem:s21+$0xFFFFFF90] =	vst v8;
	v8 =	vmov s24  }
0x9f: {  	v9 =	vld.idx.msk [tilespmem:v9+s12+$0x0], $0xffff;
	v11 =	vshll.u32 v8, $0x8;
	v8 =	vshll.u32 v8, $0x7  }
0xa0: {  	s25 =	simm.s32 $0x2;
	v14 =	vor.u32 v2, v15;
	v10 =	vld.idx.msk [tilespmem:v10+s12+$0x0], $0xffff;
	v11 =	vand.u32 $0x7800, v11;
	v8 =	vand.u32 $0x380, v8  }
0xa1: {  	v16 =	vmov s25;
	v17 =	vor.u32 v1, v12;
	v13 =	vor.u32 v8, v11  }
0xa2: {  	v8 =	vshll.u32 v16, $0x8;
	v11 =	vshll.u32 v16, $0x7;
	v16 =	vor.u32 v0, v13  }
0xa3: {  	v8 =	vand.u32 $0x7800, v8;
	v11 =	vand.u32 $0x300, v11  }
0xa4: {  	v8 =	vor.u32 v11, v8;
	[tilespmem:s21+$0xFFFFFFA0] =	vst v9  }
0xa5: {  	[tilespmem:s21+$0xFFFFFF10] =	vst v10;
	v9 =	vor.u32 v0, v8;
	v10 =	vld.idx.msk [tilespmem:v14+s12+$0x0], $0xffff  }
0xa6: {  	v11 =	vld.idx.msk [tilespmem:v17+s12+$0x0], $0xffff;
	v14 =	vor.u32 v3, v15  }
0xa7: {  	v17 =	vor.u32 v2, v12;
	v16 =	vld.idx.msk [tilespmem:v16+s12+$0x0], $0xffff  }
0xa8: {  	v18 =	vor.u32 v1, v13  }
0xa9: {  	s26 =	simm.s32 $0x4  }
0xaa: {  	s28 =	simm.s32 $0x5;
	v19 =	vmov s26;
	v22 =	vor.u32 v3, v12;
	v23 =	vor.u32 v2, v13;
	v20 =	vld.idx.msk [tilespmem:v9+s12+$0x0], $0xffff;
	[tilespmem:s21+$0xFFFFFFB0] =	vst v10  }
0xab: {  	s20 =	simm.s32 $0x141F0;
	[tilespmem:s21+$0xFFFFFF20] =	vst v11;
	v11 =	vor.u32 v1, v8;
	v9 =	vshll.u32 v19, $0x8;
	v10 =	vmov s28;
	v14 =	vld.idx.msk [tilespmem:v14+s12+$0x0], $0xffff  }
0xac: {  	v17 =	vld.idx.msk [tilespmem:v17+s12+$0x0], $0xffff;
	v21 =	vshll.u32 v10, $0x8;
	v10 =	vshll.u32 v10, $0x7;
	[tilespmem:s20+$0xFFFFFF90] =	vst v16;
	v16 =	vor.u32 v4, v15  }
0xad: {  	v19 =	vshll.u32 v19, $0x7;
	v21 =	vand.u32 $0x7800, v21;
	v10 =	vand.u32 $0x380, v10;
	v18 =	vld.idx.msk [tilespmem:v18+s12+$0x0], $0xffff  }
0xae: {  	v9 =	vand.u32 $0x7800, v9;
	v19 =	vand.u32 $0x300, v19;
	v10 =	vor.u32 v10, v21  }
0xaf: {  	v9 =	vor.u32 v19, v9;
	[tilespmem:s20+$0xFFFFFF10] =	vst v20;
	v19 =	vor.u32 v0, v10  }
0xb0: {  	v20 =	vor.u32 v0, v9;
	v11 =	vld.idx.msk [tilespmem:v11+s12+$0x0], $0xffff;
	[tilespmem:s21+$0xFFFFFFC0] =	vst v14  }
0xb1: {  	s29 =	simm.s32 $0x6;
	[tilespmem:s21+$0xFFFFFF30] =	vst v17;
	v14 =	vld.idx.msk [tilespmem:v16+s12+$0x0], $0xffff;
	v16 =	vor.u32 v2, v8  }
0xb2: {  	v21 =	vmov s29;
	v17 =	vld.idx.msk [tilespmem:v22+s12+$0x0], $0xffff;
	[tilespmem:s20+$0xFFFFFFA0] =	vst v18;
	v18 =	vor.u32 v5, v15  }
0xb3: {  	v24 =	vshll.u32 v21, $0x8;
	v21 =	vshll.u32 v21, $0x7;
	v22 =	vld.idx.msk [tilespmem:v23+s12+$0x0], $0xffff;
	v23 =	vor.u32 v4, v12  }
0xb4: {  	v25 =	vor.u32 v3, v13;
	v24 =	vand.u32 $0x7800, v24;
	v21 =	vand.u32 $0x300, v21;
	v19 =	vld.idx.msk [tilespmem:v19+s12+$0x0], $0xffff  }
0xb5: {  	v20 =	vld.idx.msk [tilespmem:v20+s12+$0x0], $0xffff;
	[tilespmem:s20+$0xFFFFFF20] =	vst v11;
	v11 =	vor.u32 v21, v24;
	v21 =	vor.u32 v1, v10  }
0xb6: {  	v24 =	vld.idx.msk [tilespmem:v16+s12+$0x0], $0xffff;
	[tilespmem:s21+$0xFFFFFFD0] =	vst v14;
	v14 =	vor.u32 v0, v11  }
0xb7: {  	[tilespmem:s21+$0xFFFFFF40] =	vst v17;
	v17 =	vld.idx.msk [tilespmem:v18+s12+$0x0], $0xffff;
	v18 =	vor.u32 v1, v9  }
0xb8: {  	s30 =	simm.s32 $0x7;
	s22 =	simm.s32 $0x142F0;
	[tilespmem:s20+$0xFFFFFFB0] =	vst v22;
	v22 =	vld.idx.msk [tilespmem:v23+s12+$0x0], $0xffff;
	v23 =	vor.u32 v6, v15  }
0xb9: {  	v16 =	vmov s30;
	[tilespmem:s22+$0xFFFFFF90] =	vst v19;
	v19 =	vor.u32 v3, v8;
	v25 =	vld.idx.msk [tilespmem:v25+s12+$0x0], $0xffff  }
0xba: {  	v26 =	vor.u32 v4, v13;
	v27 =	vshll.u32 v16, $0x8;
	v28 =	vshll.u32 v16, $0x7;
	v21 =	vld.idx.msk [tilespmem:v21+s12+$0x0], $0xffff  }
0xbb: {  	[tilespmem:s22+$0xFFFFFF10] =	vst v20;
	v20 =	vor.u32 v5, v12;
	v16 =	vld.idx.msk [tilespmem:v14+s12+$0x0], $0xffff;
	v14 =	vand.u32 $0x7800, v27;
	v27 =	vand.u32 $0x380, v28  }
0xbc: {  	v28 =	vor.u32 v2, v10;
	v18 =	vld.idx.msk [tilespmem:v18+s12+$0x0], $0xffff;
	[tilespmem:s21+$0xFFFFFFE0] =	vst v17;
	v14 =	vor.u32 v27, v14  }
0xbd: {  	[tilespmem:s20+$0xFFFFFF30] =	vst v24;
	v17 =	vld.idx.msk [tilespmem:v23+s12+$0x0], $0xffff;
	v23 =	vor.u32 v0, v14  }
0xbe: {  	v15 =	vor.u32 v7, v15;
	v19 =	vld.idx.msk [tilespmem:v19+s12+$0x0], $0xffff;
	[tilespmem:s20+$0xFFFFFFC0] =	vst v25  }
0xbf: {  	[tilespmem:s21+$0xFFFFFF50] =	vst v22;
	v24 =	vld.idx.msk [tilespmem:v26+s12+$0x0], $0xffff  }
0xc0: {  	v22 =	vor.u32 v2, v9;
	[tilespmem:s22+$0xFFFFFFA0] =	vst v21;
	v26 =	vld.idx.msk [tilespmem:v20+s12+$0x0], $0xffff  }
0xc1: {  	s31 =	simm.s32 $0x8;
	v21 =	vor.u32 v5, v13;
	v25 =	vld.idx.msk [tilespmem:v28+s12+$0x0], $0xffff  }
0xc2: {  	v28 =	vor.u32 v4, v8;
	v29 =	vld.idx.msk [tilespmem:v23+s12+$0x0], $0xffff;
	[tilespmem:s21+$0xFFFFFFF0] =	vst v17;
	v17 =	vmov s31  }
0xc3: {  	[tilespmem:s22+$0xFFFFFF20] =	vst v18;
	v23 =	vor.u32 v3, v10;
	v20 =	vld.idx.msk [tilespmem:v15+s12+$0x0], $0xffff;
	v15 =	vshll.u32 v17, $0x8;
	v17 =	vshll.u32 v17, $0x7  }
0xc4: {  	v30 =	vor.u32 v6, v12;
	[tilespmem:s20+$0xFFFFFF40] =	vst v19;
	v15 =	vand.u32 $0x7800, v15;
	v17 =	vand.u32 $0x300, v17  }
0xc5: {  	v27 =	vor.u32 v1, v14;
	v18 =	vld.idx.msk [tilespmem:v22+s12+$0x0], $0xffff;
	[tilespmem:s20+$0xFFFFFFD0] =	vst v24;
	v15 =	vor.u32 v17, v15  }
0xc6: {  	v21 =	vld.idx.msk [tilespmem:v21+s12+$0x0], $0xffff;
	[tilespmem:s22+$0xFFFFFFB0] =	vst v25;
	v25 =	vor.u32 v0, v15  }
0xc7: {  	v24 =	vor.u32 v1, v11;
	v17 =	vld.idx.msk [tilespmem:v28+s12+$0x0], $0xffff  }
0xc8: {  	s23 =	simm.s32 $0x143F0;
	[tilespmem:s21+$0xFFFFFF60] =	vst v26;
	v22 =	vld.idx.msk [tilespmem:v23+s12+$0x0], $0xffff;
	v23 =	vor.u32 v6, v13  }
0xc9: {  	s26 =	simm.s32 $0x9;
	s24 =	simm.s32 $0xA;
	v26 =	vor.u32 v3, v9;
	v19 =	vld.idx.msk [tilespmem:v30+s12+$0x0], $0xffff;
	[tilespmem:s23+$0xFFFFFF90] =	vst v29  }
.LBB2_4:
0xca: {  	p0 =	slt.u32 s24, $0x7E;
	v28 =	vmov s26;
	v27 =	vld.idx.msk [tilespmem:v27+s12+$0x0], $0xffff;
	v29 =	vor.u32 v4, v10;
	[tilespmem:s21+$0x0] =	vst v20;
	s25 =	smov.u32 s23  }
0xcb: {  	v20 =	vshll.u32 v28, $0x8;
	v28 =	vshll.u32 v28, $0x7;
	[tilespmem:s23+$0xFFFFFF10] =	vst v16;
	v16 =	vld.idx.msk [tilespmem:v25+s12+$0x0], $0xffff;
	v25 =	vor.u32 v5, v8  }
0xcc: {  	v30 =	vor.u32 v2, v14;
	v20 =	vand.u32 $0x7800, v20;
	v28 =	vand.u32 $0x380, v28;
	v24 =	vld.idx.msk [tilespmem:v24+s12+$0x0], $0xffff;
	[tilespmem:s20+$0xFFFFFFE0] =	vst v21  }
0xcd: {  	v21 =	vor.u32 v7, v12;
	v12 =	vmov v8;
	v20 =	vor.u32 v28, v20;
	[tilespmem:s22+$0xFFFFFF30] =	vst v18;
	v18 =	vld.idx.msk [tilespmem:v23+s12+$0x0], $0xffff  }
0xce: {  	v8 =	vmovc v9;
	v9 =	vmov v11;
	v11 =	vmov v15;
	v23 =	vor.u32 v0, v20;
	v26 =	vld.idx.msk [tilespmem:v26+s12+$0x0], $0xffff;
	[tilespmem:s22+$0xFFFFFFC0] =	vst v22  }
0xcf: {  	v15 =	vor.u32 v7, v13;
	v13 =	vmovc v10;
	v10 =	vmov v14;
	v14 =	vmov v20;
	v22 =	vld.idx.msk [tilespmem:v29+s12+$0x0], $0xffff;
	[tilespmem:s20+$0xFFFFFF50] =	vst v17  }
0xd0: {  	v17 =	vor.u32 v2, v9;
	[tilespmem:s23+$0xFFFFFFA0] =	vst v27;
	v28 =	vld.idx.msk [tilespmem:v25+s12+$0x0], $0xffff  }
0xd1: {  	v29 =	vld.idx.msk [tilespmem:v30+s12+$0x0], $0xffff;
	v30 =	vor.u32 v5, v13;
	[tilespmem:s21+$0xFFFFFF70] =	vst v19  }
0xd2: {  	v31 =	vor.u32 v4, v8;
	v19 =	vmov s24;
	[tilespmem:s23+$0xFFFFFF20] =	vst v24;
	v32 =	vld.idx.msk [tilespmem:v21+s12+$0x0], $0xffff  }
0xd3: {  	v20 =	vshll.u32 v19, $0x8;
	v19 =	vshll.u32 v19, $0x7;
	v33 =	vld.idx.msk [tilespmem:v23+s12+$0x0], $0xffff;
	v23 =	vor.u32 v3, v10;
	[tilespmem:s20+$0xFFFFFFF0] =	vst v18  }
0xd4: {  	v34 =	vor.u32 v6, v12;
	v18 =	vand.u32 $0x7800, v20;
	v19 =	vand.u32 $0x300, v19;
	[tilespmem:s22+$0xFFFFFF40] =	vst v26;
	v20 =	vld.idx.msk [tilespmem:v15+s12+$0x0], $0xffff  }
.Ltmp1:
0xd5: {  	v27 =	vor.u32 v1, v14;
	v15 =	vor.u32 v19, v18;
	v18 =	vld.idx.msk [tilespmem:v17+s12+$0x0], $0xffff;
	[tilespmem:s22+$0xFFFFFFD0] =	vst v22;
	(pc) =	sbr.rel @p0 .LBB2_4-.Ltmp1, $4  }
0xd6: {  	v25 =	vor.u32 v0, v15;
	v21 =	vld.idx.msk [tilespmem:v30+s12+$0x0], $0xffff;
	[tilespmem:s20+$0xFFFFFF60] =	vst v28  }
0xd7: {  	v24 =	vor.u32 v1, v11;
	[tilespmem:s23+$0xFFFFFFB0] =	vst v29;
	v17 =	vld.idx.msk [tilespmem:v31+s12+$0x0], $0xffff  }
0xd8: {  	s23 =	sadd.s32 $0x100, s23;
	v22 =	vld.idx.msk [tilespmem:v23+s12+$0x0], $0xffff;
	v23 =	vor.u32 v6, v13;
	[tilespmem:s21+$0xFFFFFF80] =	vst v32;
	s21 =	smov.u32 s20;
	s20 =	smov.u32 s22  }
0xd9: {  	s26 =	sadd.s32 $0x1, s24;
	s24 =	sadd.s32 $0x2, s24;
	v26 =	vor.u32 v3, v9;
	s22 =	smov.u32 s25;
	[tilespmem:s23+$0xFFFFFF90] =	vst v33;
	v19 =	vld.idx.msk [tilespmem:v34+s12+$0x0], $0xffff  }
0xda: {  	v28 =	vmov s26  }
0xdb: {  	v29 =	vshll.u32 v28, $0x8;
	v28 =	vshll.u32 v28, $0x7  }
0xdc: {  	v29 =	vand.u32 $0x7800, v29;
	v28 =	vand.u32 $0x380, v28  }
0xdd: {  	v28 =	vor.u32 v28, v29  }
0xde: {  	v29 =	vor.u32 v0, v28  }
0xdf: {  	[tilespmem:s21+$0x0] =	vst v20  }
0xe0: {  	[tilespmem:s23+$0xFFFFFF10] =	vst v16  }
0xe1: {  	v20 =	vld.idx.msk [tilespmem:v27+s12+$0x0], $0xffff;
	[tilespmem:s22+$0xFFFFFF30] =	vst v18  }
0xe2: {  	v16 =	vor.u32 v4, v10;
	[tilespmem:s20+$0xFFFFFFE0] =	vst v21;
	v21 =	vld.idx.msk [tilespmem:v25+s12+$0x0], $0xffff  }
0xe3: {  	[tilespmem:s20+$0xFFFFFF50] =	vst v17;
	v17 =	vor.u32 v1, v15;
	v18 =	vld.idx.msk [tilespmem:v29+s12+$0x0], $0xffff  }
0xe4: {  	[tilespmem:s22+$0xFFFFFFC0] =	vst v22;
	v22 =	vor.u32 v1, v28  }
0xe5: {  	v25 =	vor.u32 v5, v8;
	v23 =	vld.idx.msk [tilespmem:v23+s12+$0x0], $0xffff  }
0xe6: {  	s24 =	sadd.s32 $0x100, s23;
	v24 =	vld.idx.msk [tilespmem:v24+s12+$0x0], $0xffff;
	[tilespmem:s23+$0xFFFFFFA0] =	vst v20;
	v20 =	vor.u32 v2, v14  }
0xe7: {  	v16 =	vld.idx.msk [tilespmem:v16+s12+$0x0], $0xffff;
	[tilespmem:s24+$0xFFFFFF10] =	vst v21  }
0xe8: {  	v12 =	vor.u32 v7, v12;
	v17 =	vld.idx.msk [tilespmem:v17+s12+$0x0], $0xffff;
	[tilespmem:s24+$0xFFFFFF90] =	vst v18  }
0xe9: {  	[tilespmem:s21+$0xFFFFFF70] =	vst v19;
	v18 =	vor.u32 v2, v11;
	v19 =	vld.idx.msk [tilespmem:v22+s12+$0x0], $0xffff  }
0xea: {  	[tilespmem:s20+$0xFFFFFFF0] =	vst v23;
	v23 =	vor.u32 v2, v15;
	v22 =	vld.idx.msk [tilespmem:v25+s12+$0x0], $0xffff  }
0xeb: {  	[tilespmem:s23+$0xFFFFFF20] =	vst v24;
	v21 =	vor.u32 v2, v28;
	v20 =	vld.idx.msk [tilespmem:v20+s12+$0x0], $0xffff  }
0xec: {  	v26 =	vld.idx.msk [tilespmem:v26+s12+$0x0], $0xffff;
	[tilespmem:s22+$0xFFFFFFD0] =	vst v16;
	v16 =	vor.u32 v3, v14  }
0xed: {  	v13 =	vor.u32 v7, v13;
	v12 =	vld.idx.msk [tilespmem:v12+s12+$0x0], $0xffff;
	[tilespmem:s24+$0xFFFFFF20] =	vst v17  }
0xee: {  	v24 =	vor.u32 v5, v10;
	v18 =	vld.idx.msk [tilespmem:v18+s12+$0x0], $0xffff;
	[tilespmem:s24+$0xFFFFFFA0] =	vst v19  }
0xef: {  	v19 =	vor.u32 v3, v11;
	[tilespmem:s20+$0xFFFFFF60] =	vst v22;
	v22 =	vld.idx.msk [tilespmem:v23+s12+$0x0], $0xffff  }
0xf0: {  	[tilespmem:s23+$0xFFFFFFB0] =	vst v20;
	v23 =	vor.u32 v4, v9;
	v21 =	vld.idx.msk [tilespmem:v21+s12+$0x0], $0xffff  }
0xf1: {  	[tilespmem:s22+$0xFFFFFF40] =	vst v26;
	v20 =	vor.u32 v3, v15;
	v16 =	vld.idx.msk [tilespmem:v16+s12+$0x0], $0xffff  }
0xf2: {  	v13 =	vld.idx.msk [tilespmem:v13+s12+$0x0], $0xffff;
	[tilespmem:s21+$0xFFFFFF80] =	vst v12;
	v17 =	vor.u32 v3, v28  }
0xf3: {  	v12 =	vor.u32 v6, v8;
	v24 =	vld.idx.msk [tilespmem:v24+s12+$0x0], $0xffff;
	[tilespmem:s23+$0xFFFFFF30] =	vst v18  }
0xf4: {  	v18 =	vor.u32 v4, v14;
	v19 =	vld.idx.msk [tilespmem:v19+s12+$0x0], $0xffff;
	[tilespmem:s24+$0xFFFFFF30] =	vst v22  }
0xf5: {  	v22 =	vld.idx.msk [tilespmem:v23+s12+$0x0], $0xffff;
	[tilespmem:s24+$0xFFFFFFB0] =	vst v21;
	v21 =	vor.u32 v4, v11  }
0xf6: {  	[tilespmem:s23+$0xFFFFFFC0] =	vst v16;
	v16 =	vor.u32 v5, v9;
	v20 =	vld.idx.msk [tilespmem:v20+s12+$0x0], $0xffff  }
0xf7: {  	[tilespmem:s20+$0x0] =	vst v13;
	v23 =	vor.u32 v4, v15;
	v17 =	vld.idx.msk [tilespmem:v17+s12+$0x0], $0xffff  }
0xf8: {  	v13 =	vor.u32 v4, v28;
	[tilespmem:s22+$0xFFFFFFE0] =	vst v24;
	v12 =	vld.idx.msk [tilespmem:v12+s12+$0x0], $0xffff  }
0xf9: {  	v24 =	vor.u32 v6, v10;
	v18 =	vld.idx.msk [tilespmem:v18+s12+$0x0], $0xffff;
	[tilespmem:s23+$0xFFFFFF40] =	vst v19  }
0xfa: {  	v8 =	vor.u32 v7, v8;
	[tilespmem:s22+$0xFFFFFF50] =	vst v22;
	v21 =	vld.idx.msk [tilespmem:v21+s12+$0x0], $0xffff  }
0xfb: {  	v19 =	vor.u32 v5, v14;
	[tilespmem:s24+$0xFFFFFF40] =	vst v20;
	v16 =	vld.idx.msk [tilespmem:v16+s12+$0x0], $0xffff  }
0xfc: {  	[tilespmem:s24+$0xFFFFFFC0] =	vst v17;
	v17 =	vor.u32 v5, v11;
	v22 =	vld.idx.msk [tilespmem:v23+s12+$0x0], $0xffff  }
0xfd: {  	[tilespmem:s20+$0xFFFFFF70] =	vst v12;
	v12 =	vor.u32 v5, v15;
	v13 =	vld.idx.msk [tilespmem:v13+s12+$0x0], $0xffff  }
0xfe: {  	v20 =	vor.u32 v5, v28;
	v23 =	vld.idx.msk [tilespmem:v24+s12+$0x0], $0xffff;
	[tilespmem:s23+$0xFFFFFFD0] =	vst v18  }
0xff: {  	v10 =	vor.u32 v7, v10;
	v8 =	vld.idx.msk [tilespmem:v8+s12+$0x0], $0xffff;
	[tilespmem:s23+$0xFFFFFF50] =	vst v21  }
0x100: {  	v18 =	vor.u32 v6, v9;
	v19 =	vld.idx.msk [tilespmem:v19+s12+$0x0], $0xffff;
	[tilespmem:s22+$0xFFFFFF60] =	vst v16  }
0x101: {  	v21 =	vor.u32 v6, v14;
	v17 =	vld.idx.msk [tilespmem:v17+s12+$0x0], $0xffff;
	[tilespmem:s24+$0xFFFFFF50] =	vst v22  }
0x102: {  	[tilespmem:s24+$0xFFFFFFD0] =	vst v13;
	v13 =	vor.u32 v6, v11;
	v12 =	vld.idx.msk [tilespmem:v12+s12+$0x0], $0xffff  }
0x103: {  	v16 =	vor.u32 v6, v15;
	[tilespmem:s22+$0xFFFFFFF0] =	vst v23;
	v20 =	vld.idx.msk [tilespmem:v20+s12+$0x0], $0xffff  }
0x104: {  	[tilespmem:s20+$0xFFFFFF80] =	vst v8;
	v22 =	vor.u32 v6, v28;
	v10 =	vld.idx.msk [tilespmem:v10+s12+$0x0], $0xffff  }
0x105: {  	v18 =	vld.idx.msk [tilespmem:v18+s12+$0x0], $0xffff;
	[tilespmem:s23+$0xFFFFFFE0] =	vst v19  }
0x106: {  	v9 =	vor.u32 v7, v9;
	v19 =	vld.idx.msk [tilespmem:v21+s12+$0x0], $0xffff;
	[tilespmem:s23+$0xFFFFFF60] =	vst v17  }
0x107: {  	v14 =	vor.u32 v7, v14;
	v13 =	vld.idx.msk [tilespmem:v13+s12+$0x0], $0xffff;
	[tilespmem:s24+$0xFFFFFF60] =	vst v12  }
0x108: {  	v11 =	vor.u32 v7, v11;
	[tilespmem:s24+$0xFFFFFFE0] =	vst v20;
	v12 =	vld.idx.msk [tilespmem:v16+s12+$0x0], $0xffff  }
0x109: {  	v15 =	vor.u32 v7, v15;
	[tilespmem:s22+$0x0] =	vst v10;
	v17 =	vld.idx.msk [tilespmem:v22+s12+$0x0], $0xffff  }
0x10a: {  	v8 =	vor.u32 v7, v28;
	[tilespmem:s22+$0xFFFFFF70] =	vst v18  }
0x10b: {  	v9 =	vld.idx.msk [tilespmem:v9+s12+$0x0], $0xffff;
	[tilespmem:s23+$0xFFFFFFF0] =	vst v19  }
0x10c: {  	v14 =	vld.idx.msk [tilespmem:v14+s12+$0x0], $0xffff;
	[tilespmem:s23+$0xFFFFFF70] =	vst v13  }
0x10d: {  	v11 =	vld.idx.msk [tilespmem:v11+s12+$0x0], $0xffff;
	[tilespmem:s24+$0xFFFFFF70] =	vst v12  }
0x10e: {  	[tilespmem:s24+$0xFFFFFFF0] =	vst v17;
	v10 =	vld.idx.msk [tilespmem:v15+s12+$0x0], $0xffff  }
0x10f: {  	v8 =	vld.idx.msk [tilespmem:v8+s12+$0x0], $0xffff  }
0x110: {  	[tilespmem:s22+$0xFFFFFF80] =	vst v9  }
0x111: {  	[tilespmem:s23+$0x0] =	vst v14  }
0x112: {  	[tilespmem:s23+$0xFFFFFF80] =	vst v11  }
0x113: {  	[tilespmem:s24+$0xFFFFFF80] =	vst v10  }
0x114: {  	s22 =	simm.s32 $0x0;
	s23 =	simm.s32 $0x1;
	[tilespmem:s24+$0x0] =	vst v8  }
0x115: {  	v8 =	vmov s23;
	[hbm4b:s7+s22] =	stream.linear.scatter [tilespmem:s16], [sflag:$0x4], $0x4000, $0x38;
	[tilespmem:$0x18000] =	vst v63  }
0x116: {  	v9 =	vshll.u32 v8, $0x8;
	v8 =	vshll.u32 v8, $0x7  }
0x117: {  	v9 =	vand.u32 $0x7800, v9;
	v8 =	vand.u32 $0x380, v8;
	[tilespmem:s12], [sflag:$0x2] =	stream.linear.gather [hbm4b:s8+s22], $0x8000, $0x38;
	[tilespmem:$0x18000] =	vst v63  }
0x118: {  	v15 =	vor.u32 v8, v9;
	_ =	swait.ge [sflag:s13], $0x8000  }
0x119: {  	v8 =	vor.u32 v0, v15;
	[sflag:s13] =	ssyncset.done $0x0  }
0x11a: {  	[sflag:s13] =	ssyncadd.s32 $0xFFFF8000  }
0x11b: {  	_ =	swait.ge [sflag:s17], $0x4000  }
0x11c: {  	v9 =	vmov s22;
	[sflag:s17] =	ssyncset.done $0x0  }
0x11d: {  	v10 =	vshll.u32 v9, $0x8;
	v9 =	vshll.u32 v9, $0x7;
	[sflag:s17] =	ssyncadd.s32 $0xFFFFC000  }
0x11e: {  	v10 =	vand.u32 $0x7800, v10;
	v9 =	vand.u32 $0x300, v9;
	v8 =	vld.idx.msk [tilespmem:v8+s2+$0x0], $0xffff  }
0x11f: {  	v12 =	vor.u32 v9, v10;
	v9 =	vor.u32 v1, v15  }
0x120: {  	v10 =	vor.u32 v0, v12;
	_ =	sdelay $0x1  }
0x121: {  	s21 =	simm.s32 $0x10080;
	s24 =	simm.s32 $0x3  }
0x122: {  	[tilespmem:s21+$0x0] =	vst v8;
	v8 =	vmov s24  }
0x123: {  	v9 =	vld.idx.msk [tilespmem:v9+s2+$0x0], $0xffff;
	v11 =	vshll.u32 v8, $0x8;
	v8 =	vshll.u32 v8, $0x7  }
0x124: {  	s25 =	simm.s32 $0x2;
	v14 =	vor.u32 v2, v15;
	v10 =	vld.idx.msk [tilespmem:v10+s2+$0x0], $0xffff;
	v11 =	vand.u32 $0x7800, v11;
	v8 =	vand.u32 $0x380, v8  }
0x125: {  	v16 =	vmov s25;
	v17 =	vor.u32 v1, v12;
	v13 =	vor.u32 v8, v11  }
0x126: {  	v8 =	vshll.u32 v16, $0x8;
	v11 =	vshll.u32 v16, $0x7;
	v16 =	vor.u32 v0, v13  }
0x127: {  	v8 =	vand.u32 $0x7800, v8;
	v11 =	vand.u32 $0x300, v11  }
0x128: {  	v8 =	vor.u32 v11, v8;
	[tilespmem:s21+$0x10] =	vst v9  }
0x129: {  	[tilespmem:s21+$0xFFFFFF80] =	vst v10;
	v9 =	vor.u32 v0, v8;
	v10 =	vld.idx.msk [tilespmem:v14+s2+$0x0], $0xffff  }
0x12a: {  	v11 =	vld.idx.msk [tilespmem:v17+s2+$0x0], $0xffff;
	v14 =	vor.u32 v3, v15  }
0x12b: {  	v17 =	vor.u32 v2, v12;
	v16 =	vld.idx.msk [tilespmem:v16+s2+$0x0], $0xffff  }
0x12c: {  	v18 =	vor.u32 v1, v13  }
0x12d: {  	s26 =	simm.s32 $0x4  }
0x12e: {  	s28 =	simm.s32 $0x5;
	v19 =	vmov s26;
	v22 =	vor.u32 v3, v12;
	v23 =	vor.u32 v2, v13;
	v20 =	vld.idx.msk [tilespmem:v9+s2+$0x0], $0xffff;
	[tilespmem:s21+$0x20] =	vst v10  }
0x12f: {  	s20 =	simm.s32 $0x10180;
	[tilespmem:s21+$0xFFFFFF90] =	vst v11;
	v11 =	vor.u32 v1, v8;
	v9 =	vshll.u32 v19, $0x8;
	v10 =	vmov s28;
	v14 =	vld.idx.msk [tilespmem:v14+s2+$0x0], $0xffff  }
0x130: {  	v17 =	vld.idx.msk [tilespmem:v17+s2+$0x0], $0xffff;
	v21 =	vshll.u32 v10, $0x8;
	v10 =	vshll.u32 v10, $0x7;
	[tilespmem:s20+$0x0] =	vst v16;
	v16 =	vor.u32 v4, v15  }
0x131: {  	v19 =	vshll.u32 v19, $0x7;
	v21 =	vand.u32 $0x7800, v21;
	v10 =	vand.u32 $0x380, v10;
	v18 =	vld.idx.msk [tilespmem:v18+s2+$0x0], $0xffff  }
0x132: {  	v9 =	vand.u32 $0x7800, v9;
	v19 =	vand.u32 $0x300, v19;
	v10 =	vor.u32 v10, v21  }
0x133: {  	v9 =	vor.u32 v19, v9;
	[tilespmem:s20+$0xFFFFFF80] =	vst v20;
	v19 =	vor.u32 v0, v10  }
0x134: {  	v20 =	vor.u32 v0, v9;
	v11 =	vld.idx.msk [tilespmem:v11+s2+$0x0], $0xffff;
	[tilespmem:s21+$0x30] =	vst v14  }
0x135: {  	s29 =	simm.s32 $0x6;
	[tilespmem:s21+$0xFFFFFFA0] =	vst v17;
	v14 =	vld.idx.msk [tilespmem:v16+s2+$0x0], $0xffff;
	v16 =	vor.u32 v2, v8  }
0x136: {  	v21 =	vmov s29;
	v17 =	vld.idx.msk [tilespmem:v22+s2+$0x0], $0xffff;
	[tilespmem:s20+$0x10] =	vst v18;
	v18 =	vor.u32 v5, v15  }
0x137: {  	v24 =	vshll.u32 v21, $0x8;
	v21 =	vshll.u32 v21, $0x7;
	v22 =	vld.idx.msk [tilespmem:v23+s2+$0x0], $0xffff;
	v23 =	vor.u32 v4, v12  }
0x138: {  	v25 =	vor.u32 v3, v13;
	v24 =	vand.u32 $0x7800, v24;
	v21 =	vand.u32 $0x300, v21;
	v19 =	vld.idx.msk [tilespmem:v19+s2+$0x0], $0xffff  }
0x139: {  	v20 =	vld.idx.msk [tilespmem:v20+s2+$0x0], $0xffff;
	[tilespmem:s20+$0xFFFFFF90] =	vst v11;
	v11 =	vor.u32 v21, v24;
	v21 =	vor.u32 v1, v10  }
0x13a: {  	v24 =	vld.idx.msk [tilespmem:v16+s2+$0x0], $0xffff;
	[tilespmem:s21+$0x40] =	vst v14;
	v14 =	vor.u32 v0, v11  }
0x13b: {  	[tilespmem:s21+$0xFFFFFFB0] =	vst v17;
	v17 =	vld.idx.msk [tilespmem:v18+s2+$0x0], $0xffff;
	v18 =	vor.u32 v1, v9  }
0x13c: {  	s30 =	simm.s32 $0x7;
	s22 =	simm.s32 $0x10280;
	[tilespmem:s20+$0x20] =	vst v22;
	v22 =	vld.idx.msk [tilespmem:v23+s2+$0x0], $0xffff;
	v23 =	vor.u32 v6, v15  }
0x13d: {  	v16 =	vmov s30;
	[tilespmem:s22+$0x0] =	vst v19;
	v19 =	vor.u32 v3, v8;
	v25 =	vld.idx.msk [tilespmem:v25+s2+$0x0], $0xffff  }
0x13e: {  	v26 =	vor.u32 v4, v13;
	v27 =	vshll.u32 v16, $0x8;
	v28 =	vshll.u32 v16, $0x7;
	v21 =	vld.idx.msk [tilespmem:v21+s2+$0x0], $0xffff  }
0x13f: {  	[tilespmem:s22+$0xFFFFFF80] =	vst v20;
	v20 =	vor.u32 v5, v12;
	v16 =	vld.idx.msk [tilespmem:v14+s2+$0x0], $0xffff;
	v14 =	vand.u32 $0x7800, v27;
	v27 =	vand.u32 $0x380, v28  }
0x140: {  	v28 =	vor.u32 v2, v10;
	v18 =	vld.idx.msk [tilespmem:v18+s2+$0x0], $0xffff;
	[tilespmem:s21+$0x50] =	vst v17;
	v14 =	vor.u32 v27, v14  }
0x141: {  	[tilespmem:s20+$0xFFFFFFA0] =	vst v24;
	v17 =	vld.idx.msk [tilespmem:v23+s2+$0x0], $0xffff;
	v23 =	vor.u32 v0, v14  }
0x142: {  	v15 =	vor.u32 v7, v15;
	v19 =	vld.idx.msk [tilespmem:v19+s2+$0x0], $0xffff;
	[tilespmem:s20+$0x30] =	vst v25  }
0x143: {  	[tilespmem:s21+$0xFFFFFFC0] =	vst v22;
	v24 =	vld.idx.msk [tilespmem:v26+s2+$0x0], $0xffff  }
0x144: {  	v22 =	vor.u32 v2, v9;
	[tilespmem:s22+$0x10] =	vst v21;
	v26 =	vld.idx.msk [tilespmem:v20+s2+$0x0], $0xffff  }
0x145: {  	s31 =	simm.s32 $0x8;
	v21 =	vor.u32 v5, v13;
	v25 =	vld.idx.msk [tilespmem:v28+s2+$0x0], $0xffff  }
0x146: {  	v28 =	vor.u32 v4, v8;
	v29 =	vld.idx.msk [tilespmem:v23+s2+$0x0], $0xffff;
	[tilespmem:s21+$0x60] =	vst v17;
	v17 =	vmov s31  }
0x147: {  	[tilespmem:s22+$0xFFFFFF90] =	vst v18;
	v23 =	vor.u32 v3, v10;
	v20 =	vld.idx.msk [tilespmem:v15+s2+$0x0], $0xffff;
	v15 =	vshll.u32 v17, $0x8;
	v17 =	vshll.u32 v17, $0x7  }
0x148: {  	v30 =	vor.u32 v6, v12;
	[tilespmem:s20+$0xFFFFFFB0] =	vst v19;
	v15 =	vand.u32 $0x7800, v15;
	v17 =	vand.u32 $0x300, v17  }
0x149: {  	v27 =	vor.u32 v1, v14;
	v18 =	vld.idx.msk [tilespmem:v22+s2+$0x0], $0xffff;
	[tilespmem:s20+$0x40] =	vst v24;
	v15 =	vor.u32 v17, v15  }
0x14a: {  	v21 =	vld.idx.msk [tilespmem:v21+s2+$0x0], $0xffff;
	[tilespmem:s22+$0x20] =	vst v25;
	v25 =	vor.u32 v0, v15  }
0x14b: {  	v24 =	vor.u32 v1, v11;
	v17 =	vld.idx.msk [tilespmem:v28+s2+$0x0], $0xffff  }
0x14c: {  	s23 =	simm.s32 $0x10380;
	[tilespmem:s21+$0xFFFFFFD0] =	vst v26;
	v22 =	vld.idx.msk [tilespmem:v23+s2+$0x0], $0xffff;
	v23 =	vor.u32 v6, v13  }
0x14d: {  	s26 =	simm.s32 $0x9;
	s24 =	simm.s32 $0xA;
	v26 =	vor.u32 v3, v9;
	v19 =	vld.idx.msk [tilespmem:v30+s2+$0x0], $0xffff;
	[tilespmem:s23+$0x0] =	vst v29  }
.LBB2_6:
0x14e: {  	p0 =	slt.u32 s24, $0x7E;
	v28 =	vmov s26;
	v27 =	vld.idx.msk [tilespmem:v27+s2+$0x0], $0xffff;
	v29 =	vor.u32 v4, v10;
	[tilespmem:s21+$0x70] =	vst v20;
	s25 =	smov.u32 s23  }
0x14f: {  	v20 =	vshll.u32 v28, $0x8;
	v28 =	vshll.u32 v28, $0x7;
	[tilespmem:s23+$0xFFFFFF80] =	vst v16;
	v16 =	vld.idx.msk [tilespmem:v25+s2+$0x0], $0xffff;
	v25 =	vor.u32 v5, v8  }
0x150: {  	v30 =	vor.u32 v2, v14;
	v20 =	vand.u32 $0x7800, v20;
	v28 =	vand.u32 $0x380, v28;
	v24 =	vld.idx.msk [tilespmem:v24+s2+$0x0], $0xffff;
	[tilespmem:s20+$0x50] =	vst v21  }
0x151: {  	v21 =	vor.u32 v7, v12;
	v12 =	vmov v8;
	v20 =	vor.u32 v28, v20;
	[tilespmem:s22+$0xFFFFFFA0] =	vst v18;
	v18 =	vld.idx.msk [tilespmem:v23+s2+$0x0], $0xffff  }
0x152: {  	v8 =	vmovc v9;
	v9 =	vmov v11;
	v11 =	vmov v15;
	v23 =	vor.u32 v0, v20;
	v26 =	vld.idx.msk [tilespmem:v26+s2+$0x0], $0xffff;
	[tilespmem:s22+$0x30] =	vst v22  }
0x153: {  	v15 =	vor.u32 v7, v13;
	v13 =	vmovc v10;
	v10 =	vmov v14;
	v14 =	vmov v20;
	v22 =	vld.idx.msk [tilespmem:v29+s2+$0x0], $0xffff;
	[tilespmem:s20+$0xFFFFFFC0] =	vst v17  }
0x154: {  	v17 =	vor.u32 v2, v9;
	[tilespmem:s23+$0x10] =	vst v27;
	v28 =	vld.idx.msk [tilespmem:v25+s2+$0x0], $0xffff  }
0x155: {  	v29 =	vld.idx.msk [tilespmem:v30+s2+$0x0], $0xffff;
	v30 =	vor.u32 v5, v13;
	[tilespmem:s21+$0xFFFFFFE0] =	vst v19  }
0x156: {  	v31 =	vor.u32 v4, v8;
	v19 =	vmov s24;
	[tilespmem:s23+$0xFFFFFF90] =	vst v24;
	v32 =	vld.idx.msk [tilespmem:v21+s2+$0x0], $0xffff  }
0x157: {  	v20 =	vshll.u32 v19, $0x8;
	v19 =	vshll.u32 v19, $0x7;
	v33 =	vld.idx.msk [tilespmem:v23+s2+$0x0], $0xffff;
	v23 =	vor.u32 v3, v10;
	[tilespmem:s20+$0x60] =	vst v18  }
0x158: {  	v34 =	vor.u32 v6, v12;
	v18 =	vand.u32 $0x7800, v20;
	v19 =	vand.u32 $0x300, v19;
	[tilespmem:s22+$0xFFFFFFB0] =	vst v26;
	v20 =	vld.idx.msk [tilespmem:v15+s2+$0x0], $0xffff  }
.Ltmp2:
0x159: {  	v27 =	vor.u32 v1, v14;
	v15 =	vor.u32 v19, v18;
	v18 =	vld.idx.msk [tilespmem:v17+s2+$0x0], $0xffff;
	[tilespmem:s22+$0x40] =	vst v22;
	(pc) =	sbr.rel @p0 .LBB2_6-.Ltmp2, $4  }
0x15a: {  	v25 =	vor.u32 v0, v15;
	v21 =	vld.idx.msk [tilespmem:v30+s2+$0x0], $0xffff;
	[tilespmem:s20+$0xFFFFFFD0] =	vst v28  }
0x15b: {  	v24 =	vor.u32 v1, v11;
	[tilespmem:s23+$0x20] =	vst v29;
	v17 =	vld.idx.msk [tilespmem:v31+s2+$0x0], $0xffff  }
0x15c: {  	s23 =	sadd.s32 $0x100, s23;
	v22 =	vld.idx.msk [tilespmem:v23+s2+$0x0], $0xffff;
	v23 =	vor.u32 v6, v13;
	[tilespmem:s21+$0xFFFFFFF0] =	vst v32;
	s21 =	smov.u32 s20;
	s20 =	smov.u32 s22  }
0x15d: {  	s26 =	sadd.s32 $0x1, s24;
	s24 =	sadd.s32 $0x2, s24;
	v26 =	vor.u32 v3, v9;
	s22 =	smov.u32 s25;
	[tilespmem:s23+$0x0] =	vst v33;
	v19 =	vld.idx.msk [tilespmem:v34+s2+$0x0], $0xffff  }
0x15e: {  	v28 =	vmov s26  }
0x15f: {  	v29 =	vshll.u32 v28, $0x8;
	v28 =	vshll.u32 v28, $0x7  }
0x160: {  	v29 =	vand.u32 $0x7800, v29;
	v28 =	vand.u32 $0x380, v28  }
0x161: {  	v28 =	vor.u32 v28, v29  }
0x162: {  	v29 =	vor.u32 v0, v28;
	_ =	sdelay $0x1  }
0x163: {  	[tilespmem:s21+$0x70] =	vst v20  }
0x164: {  	[tilespmem:s23+$0xFFFFFF80] =	vst v16  }
0x165: {  	v20 =	vld.idx.msk [tilespmem:v27+s2+$0x0], $0xffff;
	v16 =	vor.u32 v4, v10;
	[tilespmem:s22+$0xFFFFFFA0] =	vst v18  }
0x166: {  	v12 =	vor.u32 v7, v12;
	[tilespmem:s20+$0x50] =	vst v21;
	v18 =	vld.idx.msk [tilespmem:v29+s2+$0x0], $0xffff  }
0x167: {  	v21 =	vld.idx.msk [tilespmem:v25+s2+$0x0], $0xffff;
	[tilespmem:s22+$0x30] =	vst v22;
	v22 =	vor.u32 v1, v28  }
0x168: {  	v24 =	vld.idx.msk [tilespmem:v24+s2+$0x0], $0xffff;
	[tilespmem:s20+$0xFFFFFFC0] =	vst v17;
	v17 =	vor.u32 v1, v15  }
0x169: {  	v25 =	vor.u32 v5, v8;
	v23 =	vld.idx.msk [tilespmem:v23+s2+$0x0], $0xffff;
	[tilespmem:s21+$0xFFFFFFE0] =	vst v19  }
0x16a: {  	s24 =	sadd.s32 $0x100, s23;
	[tilespmem:s23+$0x10] =	vst v20;
	v20 =	vor.u32 v2, v14;
	v16 =	vld.idx.msk [tilespmem:v16+s2+$0x0], $0xffff  }
0x16b: {  	v12 =	vld.idx.msk [tilespmem:v12+s2+$0x0], $0xffff;
	[tilespmem:s24+$0x0] =	vst v18  }
0x16c: {  	[tilespmem:s24+$0xFFFFFF80] =	vst v21;
	v18 =	vor.u32 v2, v11;
	v19 =	vld.idx.msk [tilespmem:v22+s2+$0x0], $0xffff  }
0x16d: {  	[tilespmem:s23+$0xFFFFFF90] =	vst v24;
	v21 =	vor.u32 v2, v28;
	v17 =	vld.idx.msk [tilespmem:v17+s2+$0x0], $0xffff  }
0x16e: {  	[tilespmem:s20+$0x60] =	vst v23;
	v23 =	vor.u32 v2, v15;
	v22 =	vld.idx.msk [tilespmem:v25+s2+$0x0], $0xffff  }
0x16f: {  	v13 =	vor.u32 v7, v13;
	v20 =	vld.idx.msk [tilespmem:v20+s2+$0x0], $0xffff;
	[tilespmem:s22+$0x40] =	vst v16  }
0x170: {  	v26 =	vld.idx.msk [tilespmem:v26+s2+$0x0], $0xffff;
	v16 =	vor.u32 v3, v14;
	[tilespmem:s21+$0xFFFFFFF0] =	vst v12  }
0x171: {  	v12 =	vor.u32 v6, v8;
	v18 =	vld.idx.msk [tilespmem:v18+s2+$0x0], $0xffff;
	[tilespmem:s24+$0x10] =	vst v19  }
0x172: {  	[tilespmem:s24+$0xFFFFFF90] =	vst v17;
	v19 =	vor.u32 v3, v11;
	v21 =	vld.idx.msk [tilespmem:v21+s2+$0x0], $0xffff  }
0x173: {  	v17 =	vor.u32 v3, v28;
	[tilespmem:s20+$0xFFFFFFD0] =	vst v22;
	v22 =	vld.idx.msk [tilespmem:v23+s2+$0x0], $0xffff  }
0x174: {  	v13 =	vld.idx.msk [tilespmem:v13+s2+$0x0], $0xffff;
	[tilespmem:s23+$0x20] =	vst v20;
	v20 =	vor.u32 v3, v15  }
0x175: {  	[tilespmem:s22+$0xFFFFFFB0] =	vst v26;
	v16 =	vld.idx.msk [tilespmem:v16+s2+$0x0], $0xffff;
	v23 =	vor.u32 v4, v9  }
0x176: {  	v24 =	vor.u32 v5, v10;
	v12 =	vld.idx.msk [tilespmem:v12+s2+$0x0], $0xffff;
	[tilespmem:s23+$0xFFFFFFA0] =	vst v18  }
0x177: {  	v18 =	vor.u32 v4, v14;
	v19 =	vld.idx.msk [tilespmem:v19+s2+$0x0], $0xffff;
	[tilespmem:s24+$0x20] =	vst v21  }
0x178: {  	[tilespmem:s24+$0xFFFFFFA0] =	vst v22;
	v21 =	vor.u32 v4, v11;
	v17 =	vld.idx.msk [tilespmem:v17+s2+$0x0], $0xffff  }
0x179: {  	[tilespmem:s20+$0x70] =	vst v13;
	v13 =	vor.u32 v4, v28;
	v20 =	vld.idx.msk [tilespmem:v20+s2+$0x0], $0xffff  }
0x17a: {  	[tilespmem:s23+$0x30] =	vst v16;
	v22 =	vld.idx.msk [tilespmem:v23+s2+$0x0], $0xffff;
	v23 =	vor.u32 v4, v15  }
0x17b: {  	v8 =	vor.u32 v7, v8;
	v24 =	vld.idx.msk [tilespmem:v24+s2+$0x0], $0xffff;
	[tilespmem:s20+$0xFFFFFFE0] =	vst v12  }
0x17c: {  	v16 =	vor.u32 v5, v9;
	v18 =	vld.idx.msk [tilespmem:v18+s2+$0x0], $0xffff;
	[tilespmem:s23+$0xFFFFFFB0] =	vst v19  }
0x17d: {  	v19 =	vor.u32 v5, v14;
	v21 =	vld.idx.msk [tilespmem:v21+s2+$0x0], $0xffff;
	[tilespmem:s24+$0x30] =	vst v17  }
0x17e: {  	[tilespmem:s24+$0xFFFFFFB0] =	vst v20;
	v17 =	vor.u32 v5, v11;
	v13 =	vld.idx.msk [tilespmem:v13+s2+$0x0], $0xffff  }
0x17f: {  	[tilespmem:s22+$0xFFFFFFC0] =	vst v22;
	v20 =	vor.u32 v5, v28;
	v22 =	vld.idx.msk [tilespmem:v23+s2+$0x0], $0xffff  }
0x180: {  	[tilespmem:s22+$0x50] =	vst v24;
	v12 =	vor.u32 v5, v15;
	v8 =	vld.idx.msk [tilespmem:v8+s2+$0x0], $0xffff  }
0x181: {  	v24 =	vor.u32 v6, v10;
	v16 =	vld.idx.msk [tilespmem:v16+s2+$0x0], $0xffff;
	[tilespmem:s23+$0x40] =	vst v18  }
0x182: {  	v18 =	vor.u32 v6, v9;
	v19 =	vld.idx.msk [tilespmem:v19+s2+$0x0], $0xffff;
	[tilespmem:s23+$0xFFFFFFC0] =	vst v21  }
0x183: {  	v21 =	vor.u32 v6, v14;
	v17 =	vld.idx.msk [tilespmem:v17+s2+$0x0], $0xffff;
	[tilespmem:s24+$0x40] =	vst v13  }
0x184: {  	[tilespmem:s24+$0xFFFFFFC0] =	vst v22;
	v13 =	vor.u32 v6, v11;
	v20 =	vld.idx.msk [tilespmem:v20+s2+$0x0], $0xffff  }
0x185: {  	[tilespmem:s20+$0xFFFFFFF0] =	vst v8;
	v22 =	vor.u32 v6, v28;
	v12 =	vld.idx.msk [tilespmem:v12+s2+$0x0], $0xffff  }
0x186: {  	v23 =	vld.idx.msk [tilespmem:v24+s2+$0x0], $0xffff;
	[tilespmem:s22+$0xFFFFFFD0] =	vst v16;
	v16 =	vor.u32 v6, v15  }
0x187: {  	v10 =	vor.u32 v7, v10;
	v18 =	vld.idx.msk [tilespmem:v18+s2+$0x0], $0xffff;
	[tilespmem:s23+$0x50] =	vst v19  }
0x188: {  	v9 =	vor.u32 v7, v9;
	v19 =	vld.idx.msk [tilespmem:v21+s2+$0x0], $0xffff;
	[tilespmem:s23+$0xFFFFFFD0] =	vst v17  }
0x189: {  	v14 =	vor.u32 v7, v14;
	v13 =	vld.idx.msk [tilespmem:v13+s2+$0x0], $0xffff;
	[tilespmem:s24+$0x50] =	vst v20  }
0x18a: {  	v11 =	vor.u32 v7, v11;
	[tilespmem:s24+$0xFFFFFFD0] =	vst v12;
	v17 =	vld.idx.msk [tilespmem:v22+s2+$0x0], $0xffff  }
0x18b: {  	v8 =	vor.u32 v7, v28;
	[tilespmem:s22+$0x60] =	vst v23;
	v12 =	vld.idx.msk [tilespmem:v16+s2+$0x0], $0xffff  }
0x18c: {  	v15 =	vor.u32 v7, v15;
	v10 =	vld.idx.msk [tilespmem:v10+s2+$0x0], $0xffff;
	[tilespmem:s22+$0xFFFFFFE0] =	vst v18  }
0x18d: {  	v9 =	vld.idx.msk [tilespmem:v9+s2+$0x0], $0xffff;
	[tilespmem:s23+$0x60] =	vst v19  }
0x18e: {  	v14 =	vld.idx.msk [tilespmem:v14+s2+$0x0], $0xffff;
	[tilespmem:s23+$0xFFFFFFE0] =	vst v13  }
0x18f: {  	v11 =	vld.idx.msk [tilespmem:v11+s2+$0x0], $0xffff;
	[tilespmem:s24+$0x60] =	vst v17  }
0x190: {  	[tilespmem:s24+$0xFFFFFFE0] =	vst v12;
	v8 =	vld.idx.msk [tilespmem:v8+s2+$0x0], $0xffff  }
0x191: {  	[tilespmem:s22+$0x70] =	vst v10;
	v10 =	vld.idx.msk [tilespmem:v15+s2+$0x0], $0xffff  }
0x192: {  	[tilespmem:s22+$0xFFFFFFF0] =	vst v9  }
0x193: {  	[tilespmem:s23+$0x70] =	vst v14  }
0x194: {  	s22 =	simm.s32 $0x1;
	[tilespmem:s23+$0xFFFFFFF0] =	vst v11  }
0x195: {  	[tilespmem:s24+$0x70] =	vst v8;
	v8 =	vmov s22  }
0x196: {  	s23 =	simm.s32 $0x0;
	[tilespmem:s24+$0xFFFFFFF0] =	vst v10;
	v9 =	vshll.u32 v8, $0x8;
	v8 =	vshll.u32 v8, $0x7  }
0x197: {  	[hbm4b:s9+s23] =	stream.linear.scatter [tilespmem:s14], [sflag:$0x3], $0x4000, $0x38;
	v9 =	vand.u32 $0x7800, v9;
	v8 =	vand.u32 $0x380, v8;
	[tilespmem:$0x18000] =	vst v63  }
0x198: {  	_ =	swait.ge [sflag:s15], $0x8000;
	v15 =	vor.u32 v8, v9  }
0x199: {  	[sflag:s15] =	ssyncset.done $0x0;
	v8 =	vor.u32 v0, v15  }
0x19a: {  	[sflag:s15] =	ssyncadd.s32 $0xFFFF8000  }
0x19b: {  	_ =	swait.ge [sflag:s18], $0x4000  }
0x19c: {  	v9 =	vmov s23;
	[sflag:s18] =	ssyncset.done $0x0  }
0x19d: {  	v10 =	vshll.u32 v9, $0x8;
	v9 =	vshll.u32 v9, $0x7;
	[sflag:s18] =	ssyncadd.s32 $0xFFFFC000  }
0x19e: {  	v10 =	vand.u32 $0x7800, v10;
	v9 =	vand.u32 $0x300, v9;
	v8 =	vld.idx.msk [tilespmem:v8+s12+$0x0], $0xffff  }
0x19f: {  	v12 =	vor.u32 v9, v10;
	v9 =	vor.u32 v1, v15  }
0x1a0: {  	v10 =	vor.u32 v0, v12;
	_ =	sdelay $0x1  }
0x1a1: {  	s21 =	simm.s32 $0x140F0;
	s24 =	simm.s32 $0x3  }
0x1a2: {  	[tilespmem:s21+$0xFFFFFF90] =	vst v8;
	v8 =	vmov s24  }
0x1a3: {  	v9 =	vld.idx.msk [tilespmem:v9+s12+$0x0], $0xffff;
	v11 =	vshll.u32 v8, $0x8;
	v8 =	vshll.u32 v8, $0x7  }
0x1a4: {  	s25 =	simm.s32 $0x2;
	v14 =	vor.u32 v2, v15;
	v10 =	vld.idx.msk [tilespmem:v10+s12+$0x0], $0xffff;
	v11 =	vand.u32 $0x7800, v11;
	v8 =	vand.u32 $0x380, v8  }
0x1a5: {  	v16 =	vmov s25;
	v17 =	vor.u32 v1, v12;
	v13 =	vor.u32 v8, v11  }
0x1a6: {  	v8 =	vshll.u32 v16, $0x8;
	v11 =	vshll.u32 v16, $0x7;
	v16 =	vor.u32 v0, v13  }
0x1a7: {  	v8 =	vand.u32 $0x7800, v8;
	v11 =	vand.u32 $0x300, v11  }
0x1a8: {  	v8 =	vor.u32 v11, v8;
	[tilespmem:s21+$0xFFFFFFA0] =	vst v9  }
0x1a9: {  	[tilespmem:s21+$0xFFFFFF10] =	vst v10;
	v9 =	vor.u32 v0, v8;
	v10 =	vld.idx.msk [tilespmem:v14+s12+$0x0], $0xffff  }
0x1aa: {  	v11 =	vld.idx.msk [tilespmem:v17+s12+$0x0], $0xffff;
	v14 =	vor.u32 v3, v15  }
0x1ab: {  	v17 =	vor.u32 v2, v12;
	v16 =	vld.idx.msk [tilespmem:v16+s12+$0x0], $0xffff  }
0x1ac: {  	v18 =	vor.u32 v1, v13  }
0x1ad: {  	s26 =	simm.s32 $0x4  }
0x1ae: {  	s28 =	simm.s32 $0x5;
	v19 =	vmov s26;
	v22 =	vor.u32 v3, v12;
	v23 =	vor.u32 v2, v13;
	v20 =	vld.idx.msk [tilespmem:v9+s12+$0x0], $0xffff;
	[tilespmem:s21+$0xFFFFFFB0] =	vst v10  }
0x1af: {  	s20 =	simm.s32 $0x141F0;
	[tilespmem:s21+$0xFFFFFF20] =	vst v11;
	v11 =	vor.u32 v1, v8;
	v9 =	vshll.u32 v19, $0x8;
	v10 =	vmov s28;
	v14 =	vld.idx.msk [tilespmem:v14+s12+$0x0], $0xffff  }
0x1b0: {  	v17 =	vld.idx.msk [tilespmem:v17+s12+$0x0], $0xffff;
	v21 =	vshll.u32 v10, $0x8;
	v10 =	vshll.u32 v10, $0x7;
	[tilespmem:s20+$0xFFFFFF90] =	vst v16;
	v16 =	vor.u32 v4, v15  }
0x1b1: {  	v19 =	vshll.u32 v19, $0x7;
	v21 =	vand.u32 $0x7800, v21;
	v10 =	vand.u32 $0x380, v10;
	v18 =	vld.idx.msk [tilespmem:v18+s12+$0x0], $0xffff  }
0x1b2: {  	v9 =	vand.u32 $0x7800, v9;
	v19 =	vand.u32 $0x300, v19;
	v10 =	vor.u32 v10, v21  }
0x1b3: {  	v9 =	vor.u32 v19, v9;
	[tilespmem:s20+$0xFFFFFF10] =	vst v20;
	v19 =	vor.u32 v0, v10  }
0x1b4: {  	v20 =	vor.u32 v0, v9;
	v11 =	vld.idx.msk [tilespmem:v11+s12+$0x0], $0xffff;
	[tilespmem:s21+$0xFFFFFFC0] =	vst v14  }
0x1b5: {  	s29 =	simm.s32 $0x6;
	[tilespmem:s21+$0xFFFFFF30] =	vst v17;
	v14 =	vld.idx.msk [tilespmem:v16+s12+$0x0], $0xffff;
	v16 =	vor.u32 v2, v8  }
0x1b6: {  	v21 =	vmov s29;
	v17 =	vld.idx.msk [tilespmem:v22+s12+$0x0], $0xffff;
	[tilespmem:s20+$0xFFFFFFA0] =	vst v18;
	v18 =	vor.u32 v5, v15  }
0x1b7: {  	v24 =	vshll.u32 v21, $0x8;
	v21 =	vshll.u32 v21, $0x7;
	v22 =	vld.idx.msk [tilespmem:v23+s12+$0x0], $0xffff;
	v23 =	vor.u32 v4, v12  }
0x1b8: {  	v25 =	vor.u32 v3, v13;
	v24 =	vand.u32 $0x7800, v24;
	v21 =	vand.u32 $0x300, v21;
	v19 =	vld.idx.msk [tilespmem:v19+s12+$0x0], $0xffff  }
0x1b9: {  	v20 =	vld.idx.msk [tilespmem:v20+s12+$0x0], $0xffff;
	[tilespmem:s20+$0xFFFFFF20] =	vst v11;
	v11 =	vor.u32 v21, v24;
	v21 =	vor.u32 v1, v10  }
0x1ba: {  	v24 =	vld.idx.msk [tilespmem:v16+s12+$0x0], $0xffff;
	[tilespmem:s21+$0xFFFFFFD0] =	vst v14;
	v14 =	vor.u32 v0, v11  }
0x1bb: {  	[tilespmem:s21+$0xFFFFFF40] =	vst v17;
	v17 =	vld.idx.msk [tilespmem:v18+s12+$0x0], $0xffff;
	v18 =	vor.u32 v1, v9  }
0x1bc: {  	s30 =	simm.s32 $0x7;
	s22 =	simm.s32 $0x142F0;
	[tilespmem:s20+$0xFFFFFFB0] =	vst v22;
	v22 =	vld.idx.msk [tilespmem:v23+s12+$0x0], $0xffff;
	v23 =	vor.u32 v6, v15  }
0x1bd: {  	v16 =	vmov s30;
	[tilespmem:s22+$0xFFFFFF90] =	vst v19;
	v19 =	vor.u32 v3, v8;
	v25 =	vld.idx.msk [tilespmem:v25+s12+$0x0], $0xffff  }
0x1be: {  	v26 =	vor.u32 v4, v13;
	v27 =	vshll.u32 v16, $0x8;
	v28 =	vshll.u32 v16, $0x7;
	v21 =	vld.idx.msk [tilespmem:v21+s12+$0x0], $0xffff  }
0x1bf: {  	[tilespmem:s22+$0xFFFFFF10] =	vst v20;
	v20 =	vor.u32 v5, v12;
	v16 =	vld.idx.msk [tilespmem:v14+s12+$0x0], $0xffff;
	v14 =	vand.u32 $0x7800, v27;
	v27 =	vand.u32 $0x380, v28  }
0x1c0: {  	v28 =	vor.u32 v2, v10;
	v18 =	vld.idx.msk [tilespmem:v18+s12+$0x0], $0xffff;
	[tilespmem:s21+$0xFFFFFFE0] =	vst v17;
	v14 =	vor.u32 v27, v14  }
0x1c1: {  	[tilespmem:s20+$0xFFFFFF30] =	vst v24;
	v17 =	vld.idx.msk [tilespmem:v23+s12+$0x0], $0xffff;
	v23 =	vor.u32 v0, v14  }
0x1c2: {  	v15 =	vor.u32 v7, v15;
	v19 =	vld.idx.msk [tilespmem:v19+s12+$0x0], $0xffff;
	[tilespmem:s20+$0xFFFFFFC0] =	vst v25  }
0x1c3: {  	[tilespmem:s21+$0xFFFFFF50] =	vst v22;
	v24 =	vld.idx.msk [tilespmem:v26+s12+$0x0], $0xffff  }
0x1c4: {  	v22 =	vor.u32 v2, v9;
	[tilespmem:s22+$0xFFFFFFA0] =	vst v21;
	v26 =	vld.idx.msk [tilespmem:v20+s12+$0x0], $0xffff  }
0x1c5: {  	s31 =	simm.s32 $0x8;
	v21 =	vor.u32 v5, v13;
	v25 =	vld.idx.msk [tilespmem:v28+s12+$0x0], $0xffff  }
0x1c6: {  	v28 =	vor.u32 v4, v8;
	v29 =	vld.idx.msk [tilespmem:v23+s12+$0x0], $0xffff;
	[tilespmem:s21+$0xFFFFFFF0] =	vst v17;
	v17 =	vmov s31  }
0x1c7: {  	[tilespmem:s22+$0xFFFFFF20] =	vst v18;
	v23 =	vor.u32 v3, v10;
	v20 =	vld.idx.msk [tilespmem:v15+s12+$0x0], $0xffff;
	v15 =	vshll.u32 v17, $0x8;
	v17 =	vshll.u32 v17, $0x7  }
0x1c8: {  	v30 =	vor.u32 v6, v12;
	[tilespmem:s20+$0xFFFFFF40] =	vst v19;
	v15 =	vand.u32 $0x7800, v15;
	v17 =	vand.u32 $0x300, v17  }
0x1c9: {  	v27 =	vor.u32 v1, v14;
	v18 =	vld.idx.msk [tilespmem:v22+s12+$0x0], $0xffff;
	[tilespmem:s20+$0xFFFFFFD0] =	vst v24;
	v15 =	vor.u32 v17, v15  }
0x1ca: {  	v21 =	vld.idx.msk [tilespmem:v21+s12+$0x0], $0xffff;
	[tilespmem:s22+$0xFFFFFFB0] =	vst v25;
	v25 =	vor.u32 v0, v15  }
0x1cb: {  	v24 =	vor.u32 v1, v11;
	v17 =	vld.idx.msk [tilespmem:v28+s12+$0x0], $0xffff  }
0x1cc: {  	s23 =	simm.s32 $0x143F0;
	[tilespmem:s21+$0xFFFFFF60] =	vst v26;
	v22 =	vld.idx.msk [tilespmem:v23+s12+$0x0], $0xffff;
	v23 =	vor.u32 v6, v13  }
0x1cd: {  	s26 =	simm.s32 $0x9;
	s24 =	simm.s32 $0xA;
	v26 =	vor.u32 v3, v9;
	v19 =	vld.idx.msk [tilespmem:v30+s12+$0x0], $0xffff;
	[tilespmem:s23+$0xFFFFFF90] =	vst v29  }
.LBB2_8:
0x1ce: {  	p0 =	slt.u32 s24, $0x7E;
	v28 =	vmov s26;
	v27 =	vld.idx.msk [tilespmem:v27+s12+$0x0], $0xffff;
	v29 =	vor.u32 v4, v10;
	[tilespmem:s21+$0x0] =	vst v20;
	s25 =	smov.u32 s23  }
0x1cf: {  	v20 =	vshll.u32 v28, $0x8;
	v28 =	vshll.u32 v28, $0x7;
	[tilespmem:s23+$0xFFFFFF10] =	vst v16;
	v16 =	vld.idx.msk [tilespmem:v25+s12+$0x0], $0xffff;
	v25 =	vor.u32 v5, v8  }
0x1d0: {  	v30 =	vor.u32 v2, v14;
	v20 =	vand.u32 $0x7800, v20;
	v28 =	vand.u32 $0x380, v28;
	v24 =	vld.idx.msk [tilespmem:v24+s12+$0x0], $0xffff;
	[tilespmem:s20+$0xFFFFFFE0] =	vst v21  }
0x1d1: {  	v21 =	vor.u32 v7, v12;
	v12 =	vmov v8;
	v20 =	vor.u32 v28, v20;
	[tilespmem:s22+$0xFFFFFF30] =	vst v18;
	v18 =	vld.idx.msk [tilespmem:v23+s12+$0x0], $0xffff  }
0x1d2: {  	v8 =	vmovc v9;
	v9 =	vmov v11;
	v11 =	vmov v15;
	v23 =	vor.u32 v0, v20;
	v26 =	vld.idx.msk [tilespmem:v26+s12+$0x0], $0xffff;
	[tilespmem:s22+$0xFFFFFFC0] =	vst v22  }
0x1d3: {  	v15 =	vor.u32 v7, v13;
	v13 =	vmovc v10;
	v10 =	vmov v14;
	v14 =	vmov v20;
	v22 =	vld.idx.msk [tilespmem:v29+s12+$0x0], $0xffff;
	[tilespmem:s20+$0xFFFFFF50] =	vst v17  }
0x1d4: {  	v17 =	vor.u32 v2, v9;
	[tilespmem:s23+$0xFFFFFFA0] =	vst v27;
	v28 =	vld.idx.msk [tilespmem:v25+s12+$0x0], $0xffff  }
0x1d5: {  	v29 =	vld.idx.msk [tilespmem:v30+s12+$0x0], $0xffff;
	v30 =	vor.u32 v5, v13;
	[tilespmem:s21+$0xFFFFFF70] =	vst v19  }
0x1d6: {  	v31 =	vor.u32 v4, v8;
	v19 =	vmov s24;
	[tilespmem:s23+$0xFFFFFF20] =	vst v24;
	v32 =	vld.idx.msk [tilespmem:v21+s12+$0x0], $0xffff  }
0x1d7: {  	v20 =	vshll.u32 v19, $0x8;
	v19 =	vshll.u32 v19, $0x7;
	v33 =	vld.idx.msk [tilespmem:v23+s12+$0x0], $0xffff;
	v23 =	vor.u32 v3, v10;
	[tilespmem:s20+$0xFFFFFFF0] =	vst v18  }
0x1d8: {  	v34 =	vor.u32 v6, v12;
	v18 =	vand.u32 $0x7800, v20;
	v19 =	vand.u32 $0x300, v19;
	[tilespmem:s22+$0xFFFFFF40] =	vst v26;
	v20 =	vld.idx.msk [tilespmem:v15+s12+$0x0], $0xffff  }
.Ltmp3:
0x1d9: {  	v27 =	vor.u32 v1, v14;
	v15 =	vor.u32 v19, v18;
	v18 =	vld.idx.msk [tilespmem:v17+s12+$0x0], $0xffff;
	[tilespmem:s22+$0xFFFFFFD0] =	vst v22;
	(pc) =	sbr.rel @p0 .LBB2_8-.Ltmp3, $4  }
0x1da: {  	v25 =	vor.u32 v0, v15;
	v21 =	vld.idx.msk [tilespmem:v30+s12+$0x0], $0xffff;
	[tilespmem:s20+$0xFFFFFF60] =	vst v28  }
0x1db: {  	v24 =	vor.u32 v1, v11;
	[tilespmem:s23+$0xFFFFFFB0] =	vst v29;
	v17 =	vld.idx.msk [tilespmem:v31+s12+$0x0], $0xffff  }
0x1dc: {  	s23 =	sadd.s32 $0x100, s23;
	v22 =	vld.idx.msk [tilespmem:v23+s12+$0x0], $0xffff;
	v23 =	vor.u32 v6, v13;
	[tilespmem:s21+$0xFFFFFF80] =	vst v32;
	s21 =	smov.u32 s20;
	s20 =	smov.u32 s22  }
0x1dd: {  	s26 =	sadd.s32 $0x1, s24;
	s24 =	sadd.s32 $0x2, s24;
	v26 =	vor.u32 v3, v9;
	s22 =	smov.u32 s25;
	[tilespmem:s23+$0xFFFFFF90] =	vst v33;
	v19 =	vld.idx.msk [tilespmem:v34+s12+$0x0], $0xffff  }
0x1de: {  	v28 =	vmov s26  }
0x1df: {  	v29 =	vshll.u32 v28, $0x8;
	v28 =	vshll.u32 v28, $0x7  }
0x1e0: {  	v29 =	vand.u32 $0x7800, v29;
	v28 =	vand.u32 $0x380, v28  }
0x1e1: {  	v28 =	vor.u32 v28, v29  }
0x1e2: {  	v29 =	vor.u32 v0, v28  }
0x1e3: {  	[tilespmem:s21+$0x0] =	vst v20  }
0x1e4: {  	[tilespmem:s23+$0xFFFFFF10] =	vst v16  }
0x1e5: {  	[tilespmem:s22+$0xFFFFFF30] =	vst v18;
	v56 =	vld.idx.msk [tilespmem:v25+s12+$0x0], $0xffff  }
0x1e6: {  	v53 =	vld.idx.msk [tilespmem:v27+s12+$0x0], $0xffff;
	v58 =	vor.u32 v1, v15;
	[tilespmem:s20+$0xFFFFFFE0] =	vst v21  }
0x1e7: {  	v54 =	vor.u32 v4, v10;
	[tilespmem:s20+$0xFFFFFF50] =	vst v17;
	v55 =	vld.idx.msk [tilespmem:v29+s12+$0x0], $0xffff  }
0x1e8: {  	v24 =	vld.idx.msk [tilespmem:v24+s12+$0x0], $0xffff;
	[tilespmem:s22+$0xFFFFFFC0] =	vst v22;
	v57 =	vor.u32 v1, v28  }
0x1e9: {  	s24 =	sadd.s32 $0x100, s23;
	v12 =	vor.u32 v7, v12;
	v26 =	vld.idx.msk [tilespmem:v26+s12+$0x0], $0xffff;
	[tilespmem:s21+$0xFFFFFF70] =	vst v19  }
0x1ea: {  	v60 =	vor.u32 v2, v14;
	v23 =	vld.idx.msk [tilespmem:v23+s12+$0x0], $0xffff;
	[tilespmem:s24+$0xFFFFFF10] =	vst v56  }
0x1eb: {  	v61 =	vor.u32 v2, v11;
	[tilespmem:s23+$0xFFFFFFA0] =	vst v53;
	v17 =	vld.idx.msk [tilespmem:v58+s12+$0x0], $0xffff  }
0x1ec: {  	v30 =	vor.u32 v2, v15;
	v16 =	vld.idx.msk [tilespmem:v54+s12+$0x0], $0xffff;
	[tilespmem:s24+$0xFFFFFF90] =	vst v55  }
0x1ed: {  	v37 =	vor.u32 v4, v9;
	[tilespmem:s23+$0xFFFFFF20] =	vst v24;
	v62 =	vld.idx.msk [tilespmem:v57+s12+$0x0], $0xffff  }
0x1ee: {  	v63 =	vor.u32 v2, v28;
	v12 =	vld.idx.msk [tilespmem:v12+s12+$0x0], $0xffff;
	[tilespmem:s22+$0xFFFFFF40] =	vst v26  }
0x1ef: {  	v13 =	vor.u32 v7, v13;
	v20 =	vld.idx.msk [tilespmem:v60+s12+$0x0], $0xffff;
	[tilespmem:s20+$0xFFFFFFF0] =	vst v23  }
0x1f0: {  	v59 =	vor.u32 v5, v8;
	v18 =	vld.idx.msk [tilespmem:v61+s12+$0x0], $0xffff;
	[tilespmem:s24+$0xFFFFFF20] =	vst v17  }
0x1f1: {  	v32 =	vor.u32 v3, v14;
	[tilespmem:s22+$0xFFFFFFD0] =	vst v16;
	v35 =	vld.idx.msk [tilespmem:v30+s12+$0x0], $0xffff  }
0x1f2: {  	v36 =	vor.u32 v3, v15;
	v42 =	vld.idx.msk [tilespmem:v37+s12+$0x0], $0xffff;
	[tilespmem:s24+$0xFFFFFFA0] =	vst v62  }
0x1f3: {  	v33 =	vor.u32 v3, v11;
	[tilespmem:s21+$0xFFFFFF80] =	vst v12;
	v21 =	vld.idx.msk [tilespmem:v63+s12+$0x0], $0xffff  }
0x1f4: {  	v34 =	vor.u32 v3, v28;
	v13 =	vld.idx.msk [tilespmem:v13+s12+$0x0], $0xffff;
	[tilespmem:s23+$0xFFFFFFB0] =	vst v20  }
0x1f5: {  	v31 =	vor.u32 v5, v10;
	v29 =	vld.idx.msk [tilespmem:v59+s12+$0x0], $0xffff;
	[tilespmem:s23+$0xFFFFFF30] =	vst v18  }
0x1f6: {  	v38 =	vor.u32 v6, v8;
	v16 =	vld.idx.msk [tilespmem:v32+s12+$0x0], $0xffff;
	[tilespmem:s24+$0xFFFFFF30] =	vst v35  }
0x1f7: {  	v39 =	vor.u32 v4, v14;
	[tilespmem:s22+$0xFFFFFF50] =	vst v42;
	v20 =	vld.idx.msk [tilespmem:v36+s12+$0x0], $0xffff  }
0x1f8: {  	v43 =	vor.u32 v4, v15;
	v19 =	vld.idx.msk [tilespmem:v33+s12+$0x0], $0xffff;
	[tilespmem:s24+$0xFFFFFFB0] =	vst v21  }
0x1f9: {  	v40 =	vor.u32 v4, v11;
	[tilespmem:s20+$0x0] =	vst v13;
	v17 =	vld.idx.msk [tilespmem:v34+s12+$0x0], $0xffff  }
0x1fa: {  	v41 =	vor.u32 v4, v28;
	v24 =	vld.idx.msk [tilespmem:v31+s12+$0x0], $0xffff;
	[tilespmem:s20+$0xFFFFFF60] =	vst v29  }
0x1fb: {  	v44 =	vor.u32 v6, v10;
	v12 =	vld.idx.msk [tilespmem:v38+s12+$0x0], $0xffff;
	[tilespmem:s23+$0xFFFFFFC0] =	vst v16  }
0x1fc: {  	v45 =	vor.u32 v5, v9;
	v18 =	vld.idx.msk [tilespmem:v39+s12+$0x0], $0xffff;
	[tilespmem:s24+$0xFFFFFF40] =	vst v20  }
0x1fd: {  	v46 =	vor.u32 v5, v14;
	[tilespmem:s23+$0xFFFFFF40] =	vst v19;
	v49 =	vld.idx.msk [tilespmem:v43+s12+$0x0], $0xffff  }
0x1fe: {  	v51 =	vor.u32 v5, v15;
	v21 =	vld.idx.msk [tilespmem:v40+s12+$0x0], $0xffff;
	[tilespmem:s24+$0xFFFFFFC0] =	vst v17  }
0x1ff: {  	v47 =	vor.u32 v5, v11;
	[tilespmem:s22+$0xFFFFFFE0] =	vst v24;
	v13 =	vld.idx.msk [tilespmem:v41+s12+$0x0], $0xffff  }
0x200: {  	v48 =	vor.u32 v5, v28;
	v50 =	vld.idx.msk [tilespmem:v44+s12+$0x0], $0xffff;
	[tilespmem:s20+$0xFFFFFF70] =	vst v12  }
0x201: {  	v8 =	vor.u32 v7, v8;
	v16 =	vld.idx.msk [tilespmem:v45+s12+$0x0], $0xffff;
	[tilespmem:s23+$0xFFFFFFD0] =	vst v18  }
0x202: {  	v52 =	vor.u32 v6, v9;
	v19 =	vld.idx.msk [tilespmem:v46+s12+$0x0], $0xffff;
	[tilespmem:s24+$0xFFFFFF50] =	vst v49  }
0x203: {  	v53 =	vor.u32 v6, v14;
	v12 =	vld.idx.msk [tilespmem:v51+s12+$0x0], $0xffff;
	[tilespmem:s23+$0xFFFFFF50] =	vst v21  }
0x204: {  	v56 =	vor.u32 v6, v15;
	v17 =	vld.idx.msk [tilespmem:v47+s12+$0x0], $0xffff;
	[tilespmem:s24+$0xFFFFFFD0] =	vst v13  }
0x205: {  	v54 =	vor.u32 v6, v11;
	[tilespmem:s22+$0xFFFFFFF0] =	vst v50;
	v20 =	vld.idx.msk [tilespmem:v48+s12+$0x0], $0xffff  }
0x206: {  	v55 =	vor.u32 v6, v28;
	v8 =	vld.idx.msk [tilespmem:v8+s12+$0x0], $0xffff;
	[tilespmem:s22+$0xFFFFFF60] =	vst v16  }
0x207: {  	v57 =	vor.u32 v7, v10;
	v18 =	vld.idx.msk [tilespmem:v52+s12+$0x0], $0xffff;
	[tilespmem:s23+$0xFFFFFFE0] =	vst v19  }
0x208: {  	v58 =	vor.u32 v7, v9;
	v19 =	vld.idx.msk [tilespmem:v53+s12+$0x0], $0xffff;
	[tilespmem:s24+$0xFFFFFF60] =	vst v12  }
0x209: {  	v59 =	vor.u32 v7, v14;
	v12 =	vld.idx.msk [tilespmem:v56+s12+$0x0], $0xffff;
	[tilespmem:s23+$0xFFFFFF60] =	vst v17  }
0x20a: {  	v62 =	vor.u32 v7, v15;
	v13 =	vld.idx.msk [tilespmem:v54+s12+$0x0], $0xffff;
	[tilespmem:s24+$0xFFFFFFE0] =	vst v20  }
0x20b: {  	v61 =	vor.u32 v7, v11;
	[tilespmem:s20+$0xFFFFFF80] =	vst v8;
	v60 =	vld.idx.msk [tilespmem:v55+s12+$0x0], $0xffff  }
0x20c: {  	v10 =	vld.idx.msk [tilespmem:v57+s12+$0x0], $0xffff;
	v8 =	vor.u32 v7, v28;
	[tilespmem:s22+$0xFFFFFF70] =	vst v18  }
0x20d: {  	v9 =	vld.idx.msk [tilespmem:v58+s12+$0x0], $0xffff;
	[tilespmem:s23+$0xFFFFFFF0] =	vst v19  }
0x20e: {  	v14 =	vld.idx.msk [tilespmem:v59+s12+$0x0], $0xffff;
	[tilespmem:s24+$0xFFFFFF70] =	vst v12  }
0x20f: {  	v63 =	vld.idx.msk [tilespmem:v62+s12+$0x0], $0xffff;
	[tilespmem:s23+$0xFFFFFF70] =	vst v13  }
0x210: {  	v11 =	vld.idx.msk [tilespmem:v61+s12+$0x0], $0xffff;
	[tilespmem:s24+$0xFFFFFFF0] =	vst v60  }
0x211: {  	[tilespmem:s22+$0x0] =	vst v10;
	v8 =	vld.idx.msk [tilespmem:v8+s12+$0x0], $0xffff  }
0x212: {  	[tilespmem:s22+$0xFFFFFF80] =	vst v9  }
0x213: {  	[tilespmem:s23+$0x0] =	vst v14  }
0x214: {  	[tilespmem:s24+$0xFFFFFF80] =	vst v63  }
0x215: {  	[tilespmem:s23+$0xFFFFFF80] =	vst v11  }
0x216: {  	s19 =	sadd.s32 $0x1, s19;
	[tilespmem:s24+$0x0] =	vst v8  }
0x217: {  	[hbm4b:s10+s2] =	stream.linear.scatter [tilespmem:s16], [sflag:$0x4], $0x4000, $0x38;
	[tilespmem:$0x18000] =	vst v63  }
0x218: {  	p0 =	sne.s32 s19, s11;
	_ =	swait.ge [sflag:s17], $0x4000  }
.Ltmp4:
0x219: {  	[sflag:s17] =	ssyncset.done $0x0;
	(pc) =	sbr.rel @p0 .LBB2_1-.Ltmp4, $4  }
0x21a: {  	[sflag:s17] =	ssyncadd.s32 $0xFFFFC000  }
0x21b: {  	_ =	swait.ge [sflag:s18], $0x4000  }
0x21c: {  	[sflag:s18] =	ssyncset.done $0x0  }
0x21d: {  	[sflag:s18] =	ssyncadd.s32 $0xFFFFC000  }
0x21e: {  	_ =	sfence.sel $0x180000  }
0x21f: {  	[bflag:$0x0] =	sbarrier.arrive $0xFFFF  }
0x220: {  	p0 =	sne.s32 s1, $0x0;
	_ =	strace $0x90000047  }
0x221: {  	s0 =	sadd.s32 @!p0 $0x100000, s0;
	[bflag:$0x2] =	sbarrier.arrive $0xFFFF  }
0x222: {  	[sflag:s0] =	ssyncadd.tile.s32 @!p0 $0x1;
	_ =	shalt  }
.Lfunc_end2:
_tile_overlayer_lowered:
.L_overlay_start_2:
0x223: {  	(tag) =	ssettag $0x2  }
0x224: {  	s0 =	rddreg [dreg:$0x0];
	s2 =	stileid.u32  }
0x225: {  	s1 =	rddreg [dreg:$0x1];
	p0 =	sne.s32 s2, $0x0  }
0x226: {  	s3 =	rddreg [dreg:$0x2];
	[bflag:$0x3] =	sbarrier.arrive $0xFFFF;
	s2 =	simm.s32 @!p0 $0x1C05  }
0x227: {  	[timem:s3], [sflag:s2] =	dma.local @!p0 [hbm:s0], s1  }
0x228: {  	s0 =	simm.s32 @!p0 $0x5  }
0x229: {  	_ =	swait.ge @!p0 [sflag:s0], s1  }
0x22a: {  	s1 =	ssub.s32 @!p0 $0x0, s1;
	[sflag:s0] =	ssyncset.done @!p0 $0x0  }
0x22b: {  	[sflag:s0] =	ssyncadd.s32 @!p0 s1  }
0x22c: {  	[bflag:$0x3] =	sbarrier.arrive $0xFFFF  }
0x22d: {  	_ =	shalt  }

</sc_bundles>
